<compile_context>
chip_gen: v7x
topology: tpu7x:2x2x1
jax: 0.10.2.dev20260603
libtpu: 0.0.44.dev20260713+nightly
codegen_flags: <defaults>
</compile_context>

<pallas_src>
import functools

import jax
import jax.numpy as jnp
from jax import lax
from jax.experimental import pallas as pl
from jax.experimental.pallas import tpu as pltpu
from jax.experimental.pallas import tpu_sc as plsc

NPAD = 256
HDIM = 64
LHID = 256


def _build_adj_sc(src, dst, w, zeros2d):
  ep = src.shape[0]
  nit = ep // 16
  mesh = plsc.VectorSubcoreMesh(core_axis_name="c", subcore_axis_name="s")

  @functools.partial(
      pl.kernel,
      mesh=mesh,
      compiler_params=pltpu.CompilerParams(needs_layout_passes=False),
      out_type=jax.ShapeDtypeStruct((NPAD, NPAD), jnp.float32),
      scratch_types=[
          pltpu.VMEM((NPAD, NPAD), jnp.float32),
          pltpu.VMEM((NPAD,), jnp.float32),
          pltpu.VMEM((NPAD,), jnp.float32),
          pltpu.VMEM((ep,), jnp.int32),
          pltpu.VMEM((ep,), jnp.int32),
          pltpu.VMEM((ep,), jnp.float32),
      ],
  )
  def adj_kernel(src_hbm, dst_hbm, w_hbm, z_hbm, out_hbm,
                 a_v, deg_v, dinv_v, src_v, dst_v, w_v):
    @pl.when((lax.axis_index("c") == 0) & (lax.axis_index("s") == 0))
    def _():
      pltpu.sync_copy(src_hbm, src_v)
      pltpu.sync_copy(dst_hbm, dst_v)
      pltpu.sync_copy(w_hbm, w_v)
      pltpu.sync_copy(z_hbm, a_v)
      pltpu.sync_copy(z_hbm.at[0], deg_v)

      def deg_body(i, c):
        d16 = dst_v[pl.ds(i * 16, 16)]
        w16 = w_v[pl.ds(i * 16, 16)]
        plsc.addupdate_scatter(deg_v, [d16], w16)
        return c
      lax.fori_loop(0, nit, deg_body, 0)

      def inv_body(i, c):
        d = deg_v[pl.ds(i * 16, 16)]
        bits = lax.bitcast_convert_type(d, jnp.int32)
        y = lax.bitcast_convert_type(
            jnp.int32(0x5F3759DF) - (bits >> 1), jnp.float32)
        y = y * (1.5 - 0.5 * d * y * y)
        y = y * (1.5 - 0.5 * d * y * y)
        y = y * (1.5 - 0.5 * d * y * y)
        y = y * (1.5 - 0.5 * d * y * y)
        dinv_v[pl.ds(i * 16, 16)] = jnp.where(d > 0.5, y, 0.0)
        return c
      lax.fori_loop(0, NPAD // 16, inv_body, 0)

      def edge_body(i, c):
        s16 = src_v[pl.ds(i * 16, 16)]
        d16 = dst_v[pl.ds(i * 16, 16)]
        w16 = w_v[pl.ds(i * 16, 16)]
        dis = plsc.load_gather(dinv_v, [s16])
        did = plsc.load_gather(dinv_v, [d16])
        plsc.addupdate_scatter(a_v, [d16, s16], dis * did * w16)
        return c
      lax.fori_loop(0, nit, edge_body, 0)

      pltpu.sync_copy(a_v, out_hbm)

  return adj_kernel(src, dst, w, zeros2d)


_GBLK = 8


def _gcn_body(a_ref, xc_ref, wk_ref, b1_ref, w2bd_ref, b2_ref, out_ref):
  am = a_ref[...]
  hp = lax.Precision.HIGHEST
  xwc = jnp.dot(xc_ref[0], wk_ref[...], precision=hp, preferred_element_type=jnp.float32)
  z1 = jnp.maximum(
      jnp.dot(am, xwc, precision=hp, preferred_element_type=jnp.float32) + b1_ref[...],
      0.0)
  tcat = jnp.dot(z1, w2bd_ref[...], precision=hp, preferred_element_type=jnp.float32)
  z2 = jnp.maximum(
      jnp.dot(am, tcat, precision=hp, preferred_element_type=jnp.float32) + b2_ref[...],
      0.0)
  nn = out_ref.shape[1]
  for j in range(_GBLK):
    out_ref[j] = z2[0:nn, j * HDIM:(j + 1) * HDIM]


def _gcn_tc(a, xcat, wkron, b1c, w2bd, b2c, nn):
  nblk = xcat.shape[0]
  ng = nblk * _GBLK
  cw = _GBLK * HDIM
  rep = lambda g: (0, 0)
  return pl.pallas_call(
      _gcn_body,
      grid=(nblk,),
      in_specs=[
          pl.BlockSpec((NPAD, NPAD), rep),
          pl.BlockSpec((1, NPAD, 2 * _GBLK), lambda g: (g, 0, 0)),
          pl.BlockSpec((2 * _GBLK, cw), rep),
          pl.BlockSpec((1, cw), rep),
          pl.BlockSpec((cw, cw), rep),
          pl.BlockSpec((1, cw), rep),
      ],
      out_specs=pl.BlockSpec((_GBLK, nn, HDIM), lambda g: (g, 0, 0)),
      out_shape=jax.ShapeDtypeStruct((ng, nn, HDIM), jnp.float32),
  )(a, xcat, wkron, b1c, w2bd, b2c)


def _proj_body(x_ref, w_ref, b_ref, o_ref):
  o_ref[...] = lax.dot_general(
      x_ref[...], w_ref[...], (((1,), (1,)), ((), ())),
      precision=lax.Precision.HIGHEST,
      preferred_element_type=jnp.float32) + b_ref[...]


def _proj_tc(x, w, b):
  m, kk = x.shape
  n = w.shape[0]
  nb = 256
  return pl.pallas_call(
      _proj_body,
      grid=(n // nb,),
      in_specs=[
          pl.BlockSpec((m, kk), lambda r: (0, 0)),
          pl.BlockSpec((nb, kk), lambda r: (r, 0)),
          pl.BlockSpec((1, nb), lambda r: (0, r)),
      ],
      out_specs=pl.BlockSpec((m, nb), lambda r: (0, r)),
      out_shape=jax.ShapeDtypeStruct((m, n), jnp.float32),
      compiler_params=pltpu.CompilerParams(
          vmem_limit_bytes=100 * 1024 * 1024),
  )(x, w, b)


def _recip(d):
  r = 1.0 / d
  r = r * (2.0 - d * r)
  r = r * (2.0 - d * r)
  return r


def _exp(x):
  z = x * 1.4426950408889634
  k = (z + 12582912.0) - 12582912.0
  t = (z - k) * 0.6931471805599453
  p = 1.0 + t * (1.0 + t * (0.5 + t * (
      0.16666666666666666 + t * (0.041666666666666664 + t * (
          0.008333333333333333 + t * (
              0.001388888888888889 + t * 0.0001984126984126984))))))
  scale = lax.bitcast_convert_type(
      (k.astype(jnp.int32) + 127) << 23, jnp.float32)
  return p * scale


def _sig(x):
  e = _exp(-jnp.clip(x, -30.0, 30.0))
  return _recip(1.0 + e)


def _tanh(x):
  e = _exp(-2.0 * jnp.clip(x, -20.0, 20.0))
  return 1.0 - 2.0 * e * _recip(1.0 + e)


def _gru_body(gi_ref, whh0_ref, bhh0_ref, wih1_ref, bih1_ref, whh1_ref,
              bhh1_ref, wc_ref, bc_ref, o_ref):
  nt = gi_ref.shape[0]
  nb = gi_ref.shape[1]
  whh0 = whh0_ref[...]
  wih1 = wih1_ref[...]
  whh1 = whh1_ref[...]
  bhh0 = bhh0_ref[...]
  bih1 = bih1_ref[...]
  bhh1 = bhh1_ref[...]
  dnt = (((1,), (1,)), ((), ()))
  hp = lax.Precision.HIGHEST

  def step(t, carry):
    h0, h1 = carry
    gi = gi_ref[t]
    gh = lax.dot_general(h0, whh0, dnt, precision=hp,
                         preferred_element_type=jnp.float32) + bhh0
    r = _sig(gi[:, 0:LHID] + gh[:, 0:LHID])
    z = _sig(gi[:, LHID:2 * LHID] + gh[:, LHID:2 * LHID])
    n = _tanh(gi[:, 2 * LHID:3 * LHID] + r * gh[:, 2 * LHID:3 * LHID])
    h0n = (1.0 - z) * n + z * h0
    gi1 = lax.dot_general(h0n, wih1, dnt, precision=hp,
                          preferred_element_type=jnp.float32) + bih1
    gh1 = lax.dot_general(h1, whh1, dnt, precision=hp,
                          preferred_element_type=jnp.float32) + bhh1
    r1 = _sig(gi1[:, 0:LHID] + gh1[:, 0:LHID])
    z1 = _sig(gi1[:, LHID:2 * LHID] + gh1[:, LHID:2 * LHID])
    n1 = _tanh(gi1[:, 2 * LHID:3 * LHID] + r1 * gh1[:, 2 * LHID:3 * LHID])
    h1n = (1.0 - z1) * n1 + z1 * h1
    return (h0n, h1n)

  h0 = jnp.zeros((nb, LHID), jnp.float32)
  h1 = jnp.zeros((nb, LHID), jnp.float32)
  h0, h1 = lax.fori_loop(0, nt, step, (h0, h1))
  o_ref[...] = jnp.dot(h1, wc_ref[...],
                       preferred_element_type=jnp.float32) + bc_ref[...]


def _gru_tc(gi0seq, whh0, bhh0, wih1, bih1, whh1, bhh1, wc, bc2):
  nb = gi0seq.shape[1]
  return pl.pallas_call(
      _gru_body,
      out_shape=jax.ShapeDtypeStruct((nb, 128), jnp.float32),
  )(gi0seq, whh0, bhh0, wih1, bih1, whh1, bhh1, wc, bc2)


def kernel(sequences, edge_index, W1, b1, W2, b2, Wih0, Whh0, bih0, bhh0,
           Wih1, Whh1, bih1, bhh1, Wc, bc):
  bsz, tsz, nn, _ = sequences.shape

  loop_idx = jnp.arange(nn, dtype=jnp.int32)
  src = jnp.concatenate([edge_index[0].astype(jnp.int32), loop_idx])
  dst = jnp.concatenate([edge_index[1].astype(jnp.int32), loop_idx])
  ne = src.shape[0]
  ep = ((ne + 15) // 16) * 16
  pad = ep - ne
  src = jnp.concatenate([src, jnp.zeros((pad,), jnp.int32)])
  dst = jnp.concatenate([dst, jnp.zeros((pad,), jnp.int32)])
  wgt = jnp.concatenate(
      [jnp.ones((ne,), jnp.float32), jnp.zeros((pad,), jnp.float32)])
  zeros2d = jnp.zeros((NPAD, NPAD), jnp.float32)
  a = _build_adj_sc(src, dst, wgt, zeros2d)

  nf = sequences.shape[3]
  xs_t = sequences.transpose(1, 0, 2, 3).reshape(bsz * tsz, nn, nf)
  xs_p = jnp.pad(xs_t, ((0, 0), (0, NPAD - nn), (0, 0)))
  nblk = (bsz * tsz) // _GBLK
  xcat = xs_p.reshape(nblk, _GBLK, NPAD, nf).transpose(0, 2, 1, 3).reshape(
      nblk, NPAD, _GBLK * nf)
  eye8 = jnp.eye(_GBLK, dtype=jnp.float32)
  wkron = jnp.kron(eye8, W1.T)
  w2bd = jnp.kron(eye8, W2.T)
  b1c = jnp.tile(b1, (_GBLK,)).reshape(1, _GBLK * HDIM)
  b2c = jnp.tile(b2, (_GBLK,)).reshape(1, _GBLK * HDIM)
  z2 = _gcn_tc(a, xcat, wkron, b1c, w2bd, b2c, nn)

  feats = z2.reshape(bsz * tsz, nn * HDIM)
  gi0 = _proj_tc(feats, Wih0, bih0.reshape(1, 3 * LHID))
  gi0seq = gi0.reshape(tsz, bsz, 3 * LHID)

  wcp = jnp.pad(Wc.T, ((0, 0), (0, 127)))
  bcp = jnp.pad(bc.reshape(1, 1), ((0, 0), (0, 127)))
  out = _gru_tc(gi0seq, Whh0, bhh0.reshape(1, 3 * LHID), Wih1,
                bih1.reshape(1, 3 * LHID), Whh1,
                bhh1.reshape(1, 3 * LHID), wcp, bcp)
  return out[:, 0]

# --- scband reference (transcript-rebuilt; emitter-appended) ---
"""Pipeline reference for scband-stgcnmodel-35158602285061 (READ-ONLY COPY).

The authoritative reference and input builder live on the scoring server;
editing this copy changes nothing except your own understanding.
"""

import jax, jax.numpy as jnp
import numpy as np

B, T, N, F_IN = 32, 12, 207, 2
H, LH, E = 64, 256, 1722

def setup_inputs(seed: int = 0) -> dict:
    key = jax.random.key(seed)
    ks = jax.random.split(key, 20)
    s = 0.05
    inp = {
        'sequences': jax.random.normal(ks[0], (B, T, N, F_IN), dtype=jnp.float32),
        'edge_index': jax.random.randint(ks[1], (2, E), 0, N, dtype=jnp.int32),
        'W1': jax.random.normal(ks[2], (H, F_IN), dtype=jnp.float32) * s,
        'b1': jnp.zeros((H,), dtype=jnp.float32),
        'W2': jax.random.normal(ks[3], (H, H), dtype=jnp.float32) * s,
        'b2': jnp.zeros((H,), dtype=jnp.float32),
        'Wih0': jax.random.normal(ks[4], (3 * LH, H * N), dtype=jnp.float32) * 0.01,
        'Whh0': jax.random.normal(ks[5], (3 * LH, LH), dtype=jnp.float32) * s,
        'bih0': jnp.zeros((3 * LH,), dtype=jnp.float32),
        'bhh0': jnp.zeros((3 * LH,), dtype=jnp.float32),
        'Wih1': jax.random.normal(ks[6], (3 * LH, LH), dtype=jnp.float32) * s,
        'Whh1': jax.random.normal(ks[7], (3 * LH, LH), dtype=jnp.float32) * s,
        'bih1': jnp.zeros((3 * LH,), dtype=jnp.float32),
        'bhh1': jnp.zeros((3 * LH,), dtype=jnp.float32),
        'Wc': jax.random.normal(ks[8], (1, LH), dtype=jnp.float32) * s,
        'bc': jnp.zeros((1,), dtype=jnp.float32),
    }
    return inp

def reference(sequences, edge_index, W1, b1, W2, b2, Wih0, Whh0, bih0, bhh0, Wih1, Whh1, bih1, bhh1, Wc, bc):
    Bs, Ts, Ns, Fs = sequences.shape
    loop = jnp.arange(Ns, dtype=edge_index.dtype)
    src = jnp.concatenate([edge_index[0], loop])
    dst = jnp.concatenate([edge_index[1], loop])
    deg = jnp.zeros((Ns,), sequences.dtype).at[dst].add(1.0)
    dinv = jnp.where(deg > 0, 1.0 / jnp.sqrt(deg), 0.0)
    norm = dinv[src] * dinv[dst]

    def gcn(x, W, b):
        xw = x @ W.T
        out = jnp.zeros((Ns, W.shape[0]), x.dtype).at[dst].add(xw[src] * norm[:, None])
        return out + b

    def per_graph(x):
        h = jax.nn.relu(gcn(x, W1, b1))
        h = jax.nn.relu(gcn(h, W2, b2))
        return h.reshape(-1)

    xs = sequences.reshape(Bs * Ts, Ns, Fs)
    feats = jax.vmap(per_graph)(xs).reshape(Bs, Ts, -1)
    xs_t = jnp.transpose(feats, (1, 0, 2))

    def gru_layer(xseq, Wih, Whh, bih, bhh):
        Hh = Whh.shape[1]
        def step(h, x):
            gi = x @ Wih.T + bih
            gh = h @ Whh.T + bhh
            ir, iz, inn = jnp.split(gi, 3, axis=-1)
            hr, hz, hn = jnp.split(gh, 3, axis=-1)
            r = jax.nn.sigmoid(ir + hr)
            z = jax.nn.sigmoid(iz + hz)
            n = jnp.tanh(inn + r * hn)
            hnew = (1.0 - z) * n + z * h
            return hnew, hnew
        h0 = jnp.zeros((xseq.shape[1], Hh), xseq.dtype)
        _, hs = jax.lax.scan(step, h0, xseq)
        return hs

    h1 = gru_layer(xs_t, Wih0, Whh0, bih0, bhh0)
    h2 = gru_layer(h1, Wih1, Whh1, bih1, bhh1)
    logits = h2[-1] @ Wc.T + bc
    return logits[:, 0]

if __name__ == "__main__":
    import jax
    _d = setup_inputs()
    print(jax.jit(kernel)(*tuple(_d.values())))

</pallas_src>

<mosaic_0001>
#map = affine_map<(d0, d1) -> (0)>
#map1 = affine_map<(d0, d1) -> (0, 0)>
module attributes {stable_mosaic.version = 14 : i64} {
  func.func @adj_kernel(%arg0: i32, %arg1: i32, %arg2: memref<1936xi32, #tpu.memory_space<hbm>>, %arg3: memref<1936xi32, #tpu.memory_space<hbm>>, %arg4: memref<1936xf32, #tpu.memory_space<hbm>>, %arg5: memref<256x256xf32, #tpu.memory_space<hbm>>, %arg6: memref<256x256xf32, #tpu.memory_space<hbm>>, %arg7: memref<256x256xf32, #tpu.memory_space<vmem>>, %arg8: memref<256xf32, #tpu.memory_space<vmem>>, %arg9: memref<256xf32, #tpu.memory_space<vmem>>, %arg10: memref<1936xi32, #tpu.memory_space<vmem>>, %arg11: memref<1936xi32, #tpu.memory_space<vmem>>, %arg12: memref<1936xf32, #tpu.memory_space<vmem>>) attributes {dimension_semantics = [#tpu.dimension_semantics<core_parallel>, #tpu.dimension_semantics<subcore_parallel>], iteration_bounds = array<i64: 2, 16>, scalar_prefetch = 0 : i64, scratch_operands = 6 : i64, tpu.core_type = #tpu.core_type<sc_vector_subcore>, window_params = [{transform_indices = #map}, {transform_indices = #map}, {transform_indices = #map}, {transform_indices = #map1}, {transform_indices = #map1}]} {
    %eq3A = arith.constant 0 : i32
    %eq3A_0 = arith.cmpi eq, %arg0, %eq3A : i32
    %eq3A_1 = arith.constant 0 : i32
    %eq3A_2 = arith.cmpi eq, %arg1, %eq3A_1 : i32
    %and3A = arith.andi %eq3A_0, %eq3A_2 : i1
    %convert_element_type3A = arith.extui %and3A : i1 to i32
    %cond3A = arith.constant 0 : i32
    %cond3A_3 = arith.cmpi ne, %convert_element_type3A, %cond3A : i32
    scf.if %cond3A_3 {
      "tpu.region"() ({
        %run_scoped3A_21 = tpu.sem_alloc : memref<!tpu.dma_semaphore, #tpu.memory_space<semaphore_mem>>
        tpu.enqueue_dma source(%arg2 : memref<1936xi32, #tpu.memory_space<hbm>>) target(%arg10 : memref<1936xi32, #tpu.memory_space<vmem>>) target_semaphore(%run_scoped3A_21 : memref<!tpu.dma_semaphore, #tpu.memory_space<semaphore_mem>>)
        tpu.wait_dma2 semaphore(%run_scoped3A_21 : memref<!tpu.dma_semaphore, #tpu.memory_space<semaphore_mem>>) src(%arg2 : memref<1936xi32, #tpu.memory_space<hbm>>) dst(%arg10 : memref<1936xi32, #tpu.memory_space<vmem>>)
        tpu.yield
      }) : () -> ()
      "tpu.region"() ({
        %run_scoped3A_21 = tpu.sem_alloc : memref<!tpu.dma_semaphore, #tpu.memory_space<semaphore_mem>>
        tpu.enqueue_dma source(%arg3 : memref<1936xi32, #tpu.memory_space<hbm>>) target(%arg11 : memref<1936xi32, #tpu.memory_space<vmem>>) target_semaphore(%run_scoped3A_21 : memref<!tpu.dma_semaphore, #tpu.memory_space<semaphore_mem>>)
        tpu.wait_dma2 semaphore(%run_scoped3A_21 : memref<!tpu.dma_semaphore, #tpu.memory_space<semaphore_mem>>) src(%arg3 : memref<1936xi32, #tpu.memory_space<hbm>>) dst(%arg11 : memref<1936xi32, #tpu.memory_space<vmem>>)
        tpu.yield
      }) : () -> ()
      "tpu.region"() ({
        %run_scoped3A_21 = tpu.sem_alloc : memref<!tpu.dma_semaphore, #tpu.memory_space<semaphore_mem>>
        tpu.enqueue_dma source(%arg4 : memref<1936xf32, #tpu.memory_space<hbm>>) target(%arg12 : memref<1936xf32, #tpu.memory_space<vmem>>) target_semaphore(%run_scoped3A_21 : memref<!tpu.dma_semaphore, #tpu.memory_space<semaphore_mem>>)
        tpu.wait_dma2 semaphore(%run_scoped3A_21 : memref<!tpu.dma_semaphore, #tpu.memory_space<semaphore_mem>>) src(%arg4 : memref<1936xf32, #tpu.memory_space<hbm>>) dst(%arg12 : memref<1936xf32, #tpu.memory_space<vmem>>)
        tpu.yield
      }) : () -> ()
      "tpu.region"() ({
        %run_scoped3A_21 = tpu.sem_alloc : memref<!tpu.dma_semaphore, #tpu.memory_space<semaphore_mem>>
        tpu.enqueue_dma source(%arg5 : memref<256x256xf32, #tpu.memory_space<hbm>>) target(%arg7 : memref<256x256xf32, #tpu.memory_space<vmem>>) target_semaphore(%run_scoped3A_21 : memref<!tpu.dma_semaphore, #tpu.memory_space<semaphore_mem>>)
        tpu.wait_dma2 semaphore(%run_scoped3A_21 : memref<!tpu.dma_semaphore, #tpu.memory_space<semaphore_mem>>) src(%arg5 : memref<256x256xf32, #tpu.memory_space<hbm>>) dst(%arg7 : memref<256x256xf32, #tpu.memory_space<vmem>>)
        tpu.yield
      }) : () -> ()
      %run_scoped3A = arith.constant 0 : i32
      "tpu.region"() ({
        %run_scoped3A_21 = tpu.sem_alloc : memref<!tpu.dma_semaphore, #tpu.memory_space<semaphore_mem>>
        %dma_start3A = arith.constant 0 : i32
        %dma_start3A_22 = tpu.memref_slice %arg5[%run_scoped3A, %dma_start3A] : memref<256x256xf32, #tpu.memory_space<hbm>> -> memref<1x256xf32, #tpu.memory_space<hbm>>
        %dma_start3A_23 = tpu.memref_squeeze %dma_start3A_22 : memref<1x256xf32, #tpu.memory_space<hbm>> -> memref<256xf32, #tpu.memory_space<hbm>>
        %dma_start3A_24 = arith.constant 0 : i32
        %dma_start3A_25 = tpu.memref_slice %arg5[%run_scoped3A, %dma_start3A_24] : memref<256x256xf32, #tpu.memory_space<hbm>> -> memref<1x256xf32, #tpu.memory_space<hbm>>
        %dma_start3A_26 = tpu.memref_squeeze %dma_start3A_25 : memref<1x256xf32, #tpu.memory_space<hbm>> -> memref<256xf32, #tpu.memory_space<hbm>>
        tpu.enqueue_dma source(%dma_start3A_26 : memref<256xf32, #tpu.memory_space<hbm>>) target(%arg8 : memref<256xf32, #tpu.memory_space<vmem>>) target_semaphore(%run_scoped3A_21 : memref<!tpu.dma_semaphore, #tpu.memory_space<semaphore_mem>>)
        %dma_wait3A = arith.constant 0 : i32
        %dma_wait3A_27 = tpu.memref_slice %arg5[%run_scoped3A, %dma_wait3A] : memref<256x256xf32, #tpu.memory_space<hbm>> -> memref<1x256xf32, #tpu.memory_space<hbm>>
        %dma_wait3A_28 = tpu.memref_squeeze %dma_wait3A_27 : memref<1x256xf32, #tpu.memory_space<hbm>> -> memref<256xf32, #tpu.memory_space<hbm>>
        %dma_wait3A_29 = arith.constant 0 : i32
        %dma_wait3A_30 = tpu.memref_slice %arg5[%run_scoped3A, %dma_wait3A_29] : memref<256x256xf32, #tpu.memory_space<hbm>> -> memref<1x256xf32, #tpu.memory_space<hbm>>
        %dma_wait3A_31 = tpu.memref_squeeze %dma_wait3A_30 : memref<1x256xf32, #tpu.memory_space<hbm>> -> memref<256xf32, #tpu.memory_space<hbm>>
        tpu.wait_dma2 semaphore(%run_scoped3A_21 : memref<!tpu.dma_semaphore, #tpu.memory_space<semaphore_mem>>) src(%dma_wait3A_31 : memref<256xf32, #tpu.memory_space<hbm>>) dst(%arg8 : memref<256xf32, #tpu.memory_space<vmem>>)
        tpu.yield
      }) : () -> ()
      %scan3A = arith.constant 0 : i32
      %scan3A_4 = arith.constant 0 : i32
      %scan3A_5 = arith.constant 121 : i32
      %scan3A_6 = arith.addi %scan3A_4, %scan3A_5 : i32
      %scan3A_7 = arith.constant 1 : i32
      scf.for %scan3A_21 = %scan3A_4 to %scan3A_6 step %scan3A_7  : i32 {
        %mul3A = arith.constant 16 : i32
        %mul3A_22 = arith.muli %scan3A_21, %mul3A : i32
        %get3A = arith.index_cast %mul3A_22 : i32 to index
        %get3A_23 = tpu.vector_load %arg11[%get3A] {strides = array<i32>} : memref<1936xi32, #tpu.memory_space<vmem>>, vector<16xi32>,
        %mul3A_24 = arith.constant 16 : i32
        %mul3A_25 = arith.muli %scan3A_21, %mul3A_24 : i32
        %get3A_26 = arith.index_cast %mul3A_25 : i32 to index
        %get3A_27 = tpu.vector_load %arg12[%get3A_26] {strides = array<i32>} : memref<1936xf32, #tpu.memory_space<vmem>>, vector<16xf32>,
        tpu.vector_store_idx %arg8[%get3A_23], %get3A_27 {add = true} : memref<256xf32, #tpu.memory_space<vmem>>[vector<16xi32>], vector<16xf32>,
      }
      %scan3A_8 = arith.constant 121 : i32
      %scan3A_9 = arith.constant 0 : i32
      %scan3A_10 = arith.constant 0 : i32
      %scan3A_11 = arith.constant 16 : i32
      %scan3A_12 = arith.addi %scan3A_10, %scan3A_11 : i32
      %scan3A_13 = arith.constant 1 : i32
      scf.for %scan3A_21 = %scan3A_10 to %scan3A_12 step %scan3A_13  : i32 {
        %mul3A = arith.constant 16 : i32
        %mul3A_22 = arith.muli %scan3A_21, %mul3A : i32
        %get3A = arith.index_cast %mul3A_22 : i32 to index
        %get3A_23 = tpu.vector_load %arg8[%get3A] {strides = array<i32>} : memref<256xf32, #tpu.memory_space<vmem>>, vector<16xf32>,
        %bitcast_convert_type3A = tpu.bitcast %get3A_23 : vector<16xf32> -> vector<16xi32>
        %shift_right_arithmetic3A = arith.constant 1 : i32
        %shift_right_arithmetic3A_24 = vector.broadcast %shift_right_arithmetic3A : i32 to vector<16xi32>
        %shift_right_arithmetic3A_25 = arith.shrsi %bitcast_convert_type3A, %shift_right_arithmetic3A_24 : vector<16xi32>
        %sub3A = arith.constant 1597463007 : i32
        %sub3A_26 = vector.broadcast %sub3A : i32 to vector<16xi32>
        %sub3A_27 = arith.subi %sub3A_26, %shift_right_arithmetic3A_25 : vector<16xi32>
        %bitcast_convert_type3A_28 = tpu.bitcast %sub3A_27 : vector<16xi32> -> vector<16xf32>
        %mul3A_29 = arith.constant 5.000000e-01 : f32
        %mul3A_30 = vector.broadcast %mul3A_29 : f32 to vector<16xf32>
        %mul3A_31 = arith.mulf %mul3A_30, %get3A_23 : vector<16xf32>
        %mul3A_32 = arith.mulf %mul3A_31, %bitcast_convert_type3A_28 : vector<16xf32>
        %mul3A_33 = arith.mulf %mul3A_32, %bitcast_convert_type3A_28 : vector<16xf32>
        %sub3A_34 = arith.constant 1.500000e+00 : f32
        %sub3A_35 = vector.broadcast %sub3A_34 : f32 to vector<16xf32>
        %sub3A_36 = arith.subf %sub3A_35, %mul3A_33 : vector<16xf32>
        %mul3A_37 = arith.mulf %bitcast_convert_type3A_28, %sub3A_36 : vector<16xf32>
        %mul3A_38 = arith.constant 5.000000e-01 : f32
        %mul3A_39 = vector.broadcast %mul3A_38 : f32 to vector<16xf32>
        %mul3A_40 = arith.mulf %mul3A_39, %get3A_23 : vector<16xf32>
        %mul3A_41 = arith.mulf %mul3A_40, %mul3A_37 : vector<16xf32>
        %mul3A_42 = arith.mulf %mul3A_41, %mul3A_37 : vector<16xf32>
        %sub3A_43 = arith.constant 1.500000e+00 : f32
        %sub3A_44 = vector.broadcast %sub3A_43 : f32 to vector<16xf32>
        %sub3A_45 = arith.subf %sub3A_44, %mul3A_42 : vector<16xf32>
        %mul3A_46 = arith.mulf %mul3A_37, %sub3A_45 : vector<16xf32>
        %mul3A_47 = arith.constant 5.000000e-01 : f32
        %mul3A_48 = vector.broadcast %mul3A_47 : f32 to vector<16xf32>
        %mul3A_49 = arith.mulf %mul3A_48, %get3A_23 : vector<16xf32>
        %mul3A_50 = arith.mulf %mul3A_49, %mul3A_46 : vector<16xf32>
        %mul3A_51 = arith.mulf %mul3A_50, %mul3A_46 : vector<16xf32>
        %sub3A_52 = arith.constant 1.500000e+00 : f32
        %sub3A_53 = vector.broadcast %sub3A_52 : f32 to vector<16xf32>
        %sub3A_54 = arith.subf %sub3A_53, %mul3A_51 : vector<16xf32>
        %mul3A_55 = arith.mulf %mul3A_46, %sub3A_54 : vector<16xf32>
        %mul3A_56 = arith.constant 5.000000e-01 : f32
        %mul3A_57 = vector.broadcast %mul3A_56 : f32 to vector<16xf32>
        %mul3A_58 = arith.mulf %mul3A_57, %get3A_23 : vector<16xf32>
        %mul3A_59 = arith.mulf %mul3A_58, %mul3A_55 : vector<16xf32>
        %mul3A_60 = arith.mulf %mul3A_59, %mul3A_55 : vector<16xf32>
        %sub3A_61 = arith.constant 1.500000e+00 : f32
        %sub3A_62 = vector.broadcast %sub3A_61 : f32 to vector<16xf32>
        %sub3A_63 = arith.subf %sub3A_62, %mul3A_60 : vector<16xf32>
        %mul3A_64 = arith.mulf %mul3A_55, %sub3A_63 : vector<16xf32>
        %gt3A = arith.constant 5.000000e-01 : f32
        %gt3A_65 = vector.broadcast %gt3A : f32 to vector<16xf32>
        %gt3A_66 = arith.cmpf ogt, %get3A_23, %gt3A_65 : vector<16xf32>
        %jit3A = arith.constant 0.000000e+00 : f32
        %broadcast_in_dim3A = vector.broadcast %jit3A : f32 to vector<16xf32>
        %select_n3A = arith.select %gt3A_66, %mul3A_64, %broadcast_in_dim3A : vector<16xi1>, vector<16xf32>
        %mul3A_67 = arith.constant 16 : i32
        %mul3A_68 = arith.muli %scan3A_21, %mul3A_67 : i32
        %swap3A = arith.index_cast %mul3A_68 : i32 to index
        %swap3A_69 = tpu.vector_load %arg9[%swap3A] {strides = array<i32>} : memref<256xf32, #tpu.memory_space<vmem>>, vector<16xf32>,
        tpu.vector_store %arg9[%swap3A], %select_n3A {strides = array<i32>} : memref<256xf32, #tpu.memory_space<vmem>>, vector<16xf32>,
      }
      %scan3A_14 = arith.constant 16 : i32
      %scan3A_15 = arith.constant 0 : i32
      %scan3A_16 = arith.constant 0 : i32
      %scan3A_17 = arith.constant 121 : i32
      %scan3A_18 = arith.addi %scan3A_16, %scan3A_17 : i32
      %scan3A_19 = arith.constant 1 : i32
      scf.for %scan3A_21 = %scan3A_16 to %scan3A_18 step %scan3A_19  : i32 {
        %mul3A = arith.constant 16 : i32
        %mul3A_22 = arith.muli %scan3A_21, %mul3A : i32
        %get3A = arith.index_cast %mul3A_22 : i32 to index
        %get3A_23 = tpu.vector_load %arg10[%get3A] {strides = array<i32>} : memref<1936xi32, #tpu.memory_space<vmem>>, vector<16xi32>,
        %mul3A_24 = arith.constant 16 : i32
        %mul3A_25 = arith.muli %scan3A_21, %mul3A_24 : i32
        %get3A_26 = arith.index_cast %mul3A_25 : i32 to index
        %get3A_27 = tpu.vector_load %arg11[%get3A_26] {strides = array<i32>} : memref<1936xi32, #tpu.memory_space<vmem>>, vector<16xi32>,
        %mul3A_28 = arith.constant 16 : i32
        %mul3A_29 = arith.muli %scan3A_21, %mul3A_28 : i32
        %get3A_30 = arith.index_cast %mul3A_29 : i32 to index
        %get3A_31 = tpu.vector_load %arg12[%get3A_30] {strides = array<i32>} : memref<1936xf32, #tpu.memory_space<vmem>>, vector<16xf32>,
        %gather3A = tpu.vector_load_idx %arg9[%get3A_23] : memref<256xf32, #tpu.memory_space<vmem>>[vector<16xi32>], vector<16xf32>,
        %gather3A_32 = tpu.vector_load_idx %arg9[%get3A_27] : memref<256xf32, #tpu.memory_space<vmem>>[vector<16xi32>], vector<16xf32>,
        %mul3A_33 = arith.mulf %gather3A, %gather3A_32 : vector<16xf32>
        %mul3A_34 = arith.mulf %mul3A_33, %get3A_31 : vector<16xf32>
        tpu.vector_store_idx %arg7[%get3A_27, %get3A_23], %mul3A_34 {add = true} : memref<256x256xf32, #tpu.memory_space<vmem>>[vector<16xi32>, vector<16xi32>], vector<16xf32>,
      }
      %scan3A_20 = arith.constant 121 : i32
      "tpu.region"() ({
        %run_scoped3A_21 = tpu.sem_alloc : memref<!tpu.dma_semaphore, #tpu.memory_space<semaphore_mem>>
        tpu.enqueue_dma source(%arg7 : memref<256x256xf32, #tpu.memory_space<vmem>>) target(%arg6 : memref<256x256xf32, #tpu.memory_space<hbm>>) target_semaphore(%run_scoped3A_21 : memref<!tpu.dma_semaphore, #tpu.memory_space<semaphore_mem>>)
        tpu.wait_dma2 semaphore(%run_scoped3A_21 : memref<!tpu.dma_semaphore, #tpu.memory_space<semaphore_mem>>) src(%arg7 : memref<256x256xf32, #tpu.memory_space<vmem>>) dst(%arg6 : memref<256x256xf32, #tpu.memory_space<hbm>>)
        tpu.yield
      }) : () -> ()
    } else {
    }
    return
  }
}

module attributes {stable_mosaic.version = 14 : i64} {
  func.func @_gcn_body(%arg0: i32, %arg1: memref<256x256xf32, #tpu.memory_space<vmem>>, %arg2: memref<1x256x16xf32, #tpu.memory_space<vmem>>, %arg3: memref<16x512xf32, #tpu.memory_space<vmem>>, %arg4: memref<1x512xf32, #tpu.memory_space<vmem>>, %arg5: memref<512x512xf32, #tpu.memory_space<vmem>>, %arg6: memref<1x512xf32, #tpu.memory_space<vmem>>, %arg7: memref<8x207x64xf32, #tpu.memory_space<vmem>>) attributes {dimension_semantics = [#tpu.dimension_semantics<arbitrary>], iteration_bounds = array<i64: 48>, scalar_prefetch = 0 : i64, scratch_operands = 0 : i64, tpu.core_type = #tpu.core_type<tc>, window_params = [{pipeline_mode = #tpu.pipeline_mode<synchronous>, transform_indices = @transform_0, window_bounds = array<i64: 256, 256>}, {transform_indices = @transform_1, window_bounds = array<i64: 1, 256, 16>}, {pipeline_mode = #tpu.pipeline_mode<synchronous>, transform_indices = @transform_2, window_bounds = array<i64: 16, 512>}, {pipeline_mode = #tpu.pipeline_mode<synchronous>, transform_indices = @transform_3, window_bounds = array<i64: 1, 512>}, {pipeline_mode = #tpu.pipeline_mode<synchronous>, transform_indices = @transform_4, window_bounds = array<i64: 512, 512>}, {pipeline_mode = #tpu.pipeline_mode<synchronous>, transform_indices = @transform_5, window_bounds = array<i64: 1, 512>}, {transform_indices = @transform_6, window_bounds = array<i64: 8, 207, 64>}]} {
    %get3A = arith.constant 0 : index
    %get3A_0 = arith.constant 0 : index
    %get3A_1 = vector.load %arg1[%get3A, %get3A_0] : memref<256x256xf32, #tpu.memory_space<vmem>>, vector<256x256xf32>
    %get3A_2 = arith.constant 0 : index
    %get3A_3 = arith.constant 0 : index
    %get3A_4 = arith.constant 0 : index
    %get3A_5 = vector.load %arg2[%get3A_2, %get3A_3, %get3A_4] : memref<1x256x16xf32, #tpu.memory_space<vmem>>, vector<1x256x16xf32>
    %get3A_6 = vector.shape_cast %get3A_5 : vector<1x256x16xf32> to vector<256x16xf32>
    %get3A_7 = arith.constant 0 : index
    %get3A_8 = arith.constant 0 : index
    %get3A_9 = vector.load %arg3[%get3A_7, %get3A_8] : memref<16x512xf32, #tpu.memory_space<vmem>>, vector<16x512xf32>
    %dot_general3A = arith.constant dense<0.000000e+00> : vector<256x512xf32>
    %dot_general3A_10 = tpu.matmul %get3A_6, %get3A_9, %dot_general3A {dimension_numbers = #tpu.dot_dimension_numbers<[1], [0], [0], [1], [0, 0, 1, 1], [], []>, precision = #tpu.contract_precision<fp32>, transpose_lhs_hint = false} : vector<256x16xf32>, vector<16x512xf32>, vector<256x512xf32> -> vector<256x512xf32>
    %dot_general3A_11 = arith.constant dense<0.000000e+00> : vector<256x512xf32>
    %dot_general3A_12 = tpu.matmul %get3A_1, %dot_general3A_10, %dot_general3A_11 {dimension_numbers = #tpu.dot_dimension_numbers<[1], [0], [0], [1], [0, 0, 1, 1], [], []>, precision = #tpu.contract_precision<fp32>, transpose_lhs_hint = false} : vector<256x256xf32>, vector<256x512xf32>, vector<256x512xf32> -> vector<256x512xf32>
    %get3A_13 = arith.constant 0 : index
    %get3A_14 = arith.constant 0 : index
    %get3A_15 = vector.load %arg4[%get3A_13, %get3A_14] : memref<1x512xf32, #tpu.memory_space<vmem>>, vector<1x512xf32>
    %add3A = vector.broadcast %get3A_15 : vector<1x512xf32> to vector<256x512xf32>
    %add3A_16 = arith.addf %dot_general3A_12, %add3A : vector<256x512xf32>
    %max3A = arith.constant 0.000000e+00 : f32
    %max3A_17 = vector.broadcast %max3A : f32 to vector<256x512xf32>
    %max3A_18 = arith.maximumf %add3A_16, %max3A_17 : vector<256x512xf32>
    %get3A_19 = arith.constant 0 : index
    %get3A_20 = arith.constant 0 : index
    %get3A_21 = vector.load %arg5[%get3A_19, %get3A_20] : memref<512x512xf32, #tpu.memory_space<vmem>>, vector<512x512xf32>
    %dot_general3A_22 = arith.constant dense<0.000000e+00> : vector<256x512xf32>
    %dot_general3A_23 = tpu.matmul %max3A_18, %get3A_21, %dot_general3A_22 {dimension_numbers = #tpu.dot_dimension_numbers<[1], [0], [0], [1], [0, 0, 1, 1], [], []>, precision = #tpu.contract_precision<fp32>, transpose_lhs_hint = false} : vector<256x512xf32>, vector<512x512xf32>, vector<256x512xf32> -> vector<256x512xf32>
    %dot_general3A_24 = arith.constant dense<0.000000e+00> : vector<256x512xf32>
    %dot_general3A_25 = tpu.matmul %get3A_1, %dot_general3A_23, %dot_general3A_24 {dimension_numbers = #tpu.dot_dimension_numbers<[1], [0], [0], [1], [0, 0, 1, 1], [], []>, precision = #tpu.contract_precision<fp32>, transpose_lhs_hint = false} : vector<256x256xf32>, vector<256x512xf32>, vector<256x512xf32> -> vector<256x512xf32>
    %get3A_26 = arith.constant 0 : index
    %get3A_27 = arith.constant 0 : index
    %get3A_28 = vector.load %arg6[%get3A_26, %get3A_27] : memref<1x512xf32, #tpu.memory_space<vmem>>, vector<1x512xf32>
    %add3A_29 = vector.broadcast %get3A_28 : vector<1x512xf32> to vector<256x512xf32>
    %add3A_30 = arith.addf %dot_general3A_25, %add3A_29 : vector<256x512xf32>
    %max3A_31 = arith.constant 0.000000e+00 : f32
    %max3A_32 = vector.broadcast %max3A_31 : f32 to vector<256x512xf32>
    %max3A_33 = arith.maximumf %add3A_30, %max3A_32 : vector<256x512xf32>
    %slice3A = vector.extract_strided_slice %max3A_33 {offsets = [0, 0], sizes = [207, 64], strides = [1, 1]} : vector<256x512xf32> to vector<207x64xf32>
    %swap3A = arith.constant 0 : index
    %swap3A_34 = arith.constant 0 : index
    %swap3A_35 = arith.constant 0 : index
    %swap3A_36 = vector.load %arg7[%swap3A, %swap3A_34, %swap3A_35] : memref<8x207x64xf32, #tpu.memory_space<vmem>>, vector<1x207x64xf32>
    %swap3A_37 = vector.shape_cast %swap3A_36 : vector<1x207x64xf32> to vector<207x64xf32>
    %swap3A_38 = vector.shape_cast %slice3A : vector<207x64xf32> to vector<1x207x64xf32>
    tpu.vector_store %arg7[%swap3A, %swap3A_34, %swap3A_35], %swap3A_38 {strides = array<i32>} : memref<8x207x64xf32, #tpu.memory_space<vmem>>, vector<1x207x64xf32>,
    %slice3A_39 = vector.extract_strided_slice %max3A_33 {offsets = [0, 64], sizes = [207, 64], strides = [1, 1]} : vector<256x512xf32> to vector<207x64xf32>
    %swap3A_40 = arith.constant 1 : index
    %swap3A_41 = arith.constant 0 : index
    %swap3A_42 = arith.constant 0 : index
    %swap3A_43 = vector.load %arg7[%swap3A_40, %swap3A_41, %swap3A_42] : memref<8x207x64xf32, #tpu.memory_space<vmem>>, vector<1x207x64xf32>
    %swap3A_44 = vector.shape_cast %swap3A_43 : vector<1x207x64xf32> to vector<207x64xf32>
    %swap3A_45 = vector.shape_cast %slice3A_39 : vector<207x64xf32> to vector<1x207x64xf32>
    tpu.vector_store %arg7[%swap3A_40, %swap3A_41, %swap3A_42], %swap3A_45 {strides = array<i32>} : memref<8x207x64xf32, #tpu.memory_space<vmem>>, vector<1x207x64xf32>,
    %slice3A_46 = vector.extract_strided_slice %max3A_33 {offsets = [0, 128], sizes = [207, 64], strides = [1, 1]} : vector<256x512xf32> to vector<207x64xf32>
    %swap3A_47 = arith.constant 2 : index
    %swap3A_48 = arith.constant 0 : index
    %swap3A_49 = arith.constant 0 : index
    %swap3A_50 = vector.load %arg7[%swap3A_47, %swap3A_48, %swap3A_49] : memref<8x207x64xf32, #tpu.memory_space<vmem>>, vector<1x207x64xf32>
    %swap3A_51 = vector.shape_cast %swap3A_50 : vector<1x207x64xf32> to vector<207x64xf32>
    %swap3A_52 = vector.shape_cast %slice3A_46 : vector<207x64xf32> to vector<1x207x64xf32>
    tpu.vector_store %arg7[%swap3A_47, %swap3A_48, %swap3A_49], %swap3A_52 {strides = array<i32>} : memref<8x207x64xf32, #tpu.memory_space<vmem>>, vector<1x207x64xf32>,
    %slice3A_53 = vector.extract_strided_slice %max3A_33 {offsets = [0, 192], sizes = [207, 64], strides = [1, 1]} : vector<256x512xf32> to vector<207x64xf32>
    %swap3A_54 = arith.constant 3 : index
    %swap3A_55 = arith.constant 0 : index
    %swap3A_56 = arith.constant 0 : index
    %swap3A_57 = vector.load %arg7[%swap3A_54, %swap3A_55, %swap3A_56] : memref<8x207x64xf32, #tpu.memory_space<vmem>>, vector<1x207x64xf32>
    %swap3A_58 = vector.shape_cast %swap3A_57 : vector<1x207x64xf32> to vector<207x64xf32>
    %swap3A_59 = vector.shape_cast %slice3A_53 : vector<207x64xf32> to vector<1x207x64xf32>
    tpu.vector_store %arg7[%swap3A_54, %swap3A_55, %swap3A_56], %swap3A_59 {strides = array<i32>} : memref<8x207x64xf32, #tpu.memory_space<vmem>>, vector<1x207x64xf32>,
    %slice3A_60 = vector.extract_strided_slice %max3A_33 {offsets = [0, 256], sizes = [207, 64], strides = [1, 1]} : vector<256x512xf32> to vector<207x64xf32>
    %swap3A_61 = arith.constant 4 : index
    %swap3A_62 = arith.constant 0 : index
    %swap3A_63 = arith.constant 0 : index
    %swap3A_64 = vector.load %arg7[%swap3A_61, %swap3A_62, %swap3A_63] : memref<8x207x64xf32, #tpu.memory_space<vmem>>, vector<1x207x64xf32>
    %swap3A_65 = vector.shape_cast %swap3A_64 : vector<1x207x64xf32> to vector<207x64xf32>
    %swap3A_66 = vector.shape_cast %slice3A_60 : vector<207x64xf32> to vector<1x207x64xf32>
    tpu.vector_store %arg7[%swap3A_61, %swap3A_62, %swap3A_63], %swap3A_66 {strides = array<i32>} : memref<8x207x64xf32, #tpu.memory_space<vmem>>, vector<1x207x64xf32>,
    %slice3A_67 = vector.extract_strided_slice %max3A_33 {offsets = [0, 320], sizes = [207, 64], strides = [1, 1]} : vector<256x512xf32> to vector<207x64xf32>
    %swap3A_68 = arith.constant 5 : index
    %swap3A_69 = arith.constant 0 : index
    %swap3A_70 = arith.constant 0 : index
    %swap3A_71 = vector.load %arg7[%swap3A_68, %swap3A_69, %swap3A_70] : memref<8x207x64xf32, #tpu.memory_space<vmem>>, vector<1x207x64xf32>
    %swap3A_72 = vector.shape_cast %swap3A_71 : vector<1x207x64xf32> to vector<207x64xf32>
    %swap3A_73 = vector.shape_cast %slice3A_67 : vector<207x64xf32> to vector<1x207x64xf32>
    tpu.vector_store %arg7[%swap3A_68, %swap3A_69, %swap3A_70], %swap3A_73 {strides = array<i32>} : memref<8x207x64xf32, #tpu.memory_space<vmem>>, vector<1x207x64xf32>,
    %slice3A_74 = vector.extract_strided_slice %max3A_33 {offsets = [0, 384], sizes = [207, 64], strides = [1, 1]} : vector<256x512xf32> to vector<207x64xf32>
    %swap3A_75 = arith.constant 6 : index
    %swap3A_76 = arith.constant 0 : index
    %swap3A_77 = arith.constant 0 : index
    %swap3A_78 = vector.load %arg7[%swap3A_75, %swap3A_76, %swap3A_77] : memref<8x207x64xf32, #tpu.memory_space<vmem>>, vector<1x207x64xf32>
    %swap3A_79 = vector.shape_cast %swap3A_78 : vector<1x207x64xf32> to vector<207x64xf32>
    %swap3A_80 = vector.shape_cast %slice3A_74 : vector<207x64xf32> to vector<1x207x64xf32>
    tpu.vector_store %arg7[%swap3A_75, %swap3A_76, %swap3A_77], %swap3A_80 {strides = array<i32>} : memref<8x207x64xf32, #tpu.memory_space<vmem>>, vector<1x207x64xf32>,
    %slice3A_81 = vector.extract_strided_slice %max3A_33 {offsets = [0, 448], sizes = [207, 64], strides = [1, 1]} : vector<256x512xf32> to vector<207x64xf32>
    %swap3A_82 = arith.constant 7 : index
    %swap3A_83 = arith.constant 0 : index
    %swap3A_84 = arith.constant 0 : index
    %swap3A_85 = vector.load %arg7[%swap3A_82, %swap3A_83, %swap3A_84] : memref<8x207x64xf32, #tpu.memory_space<vmem>>, vector<1x207x64xf32>
    %swap3A_86 = vector.shape_cast %swap3A_85 : vector<1x207x64xf32> to vector<207x64xf32>
    %swap3A_87 = vector.shape_cast %slice3A_81 : vector<207x64xf32> to vector<1x207x64xf32>
    tpu.vector_store %arg7[%swap3A_82, %swap3A_83, %swap3A_84], %swap3A_87 {strides = array<i32>} : memref<8x207x64xf32, #tpu.memory_space<vmem>>, vector<1x207x64xf32>,
    return
  }
  func.func @transform_0(%arg0: i32) -> (i32, i32) {
    %c0_i32 = arith.constant 0 : i32
    %c0_i32_0 = arith.constant 0 : i32
    %c0_i32_1 = arith.constant 0 : i32
    return %c0_i32, %c0_i32_0 : i32, i32
  }
  func.func @transform_1(%arg0: i32) -> (i32, i32, i32) {
    %c0_i32 = arith.constant 0 : i32
    %c0_i32_0 = arith.constant 0 : i32
    %c0_i32_1 = arith.constant 0 : i32
    return %arg0, %c0_i32, %c0_i32_0 : i32, i32, i32
  }
  func.func @transform_2(%arg0: i32) -> (i32, i32) {
    %c0_i32 = arith.constant 0 : i32
    %c0_i32_0 = arith.constant 0 : i32
    %c0_i32_1 = arith.constant 0 : i32
    return %c0_i32, %c0_i32_0 : i32, i32
  }
  func.func @transform_3(%arg0: i32) -> (i32, i32) {
    %c0_i32 = arith.constant 0 : i32
    %c0_i32_0 = arith.constant 0 : i32
    %c0_i32_1 = arith.constant 0 : i32
    return %c0_i32, %c0_i32_0 : i32, i32
  }
  func.func @transform_4(%arg0: i32) -> (i32, i32) {
    %c0_i32 = arith.constant 0 : i32
    %c0_i32_0 = arith.constant 0 : i32
    %c0_i32_1 = arith.constant 0 : i32
    return %c0_i32, %c0_i32_0 : i32, i32
  }
  func.func @transform_5(%arg0: i32) -> (i32, i32) {
    %c0_i32 = arith.constant 0 : i32
    %c0_i32_0 = arith.constant 0 : i32
    %c0_i32_1 = arith.constant 0 : i32
    return %c0_i32, %c0_i32_0 : i32, i32
  }
  func.func @transform_6(%arg0: i32) -> (i32, i32, i32) {
    %c0_i32 = arith.constant 0 : i32
    %c0_i32_0 = arith.constant 0 : i32
    %c0_i32_1 = arith.constant 0 : i32
    return %arg0, %c0_i32, %c0_i32_0 : i32, i32, i32
  }
}

module attributes {stable_mosaic.version = 14 : i64} {
  func.func @_proj_body(%arg0: i32, %arg1: memref<384x13248xf32, #tpu.memory_space<vmem>>, %arg2: memref<256x13248xf32, #tpu.memory_space<vmem>>, %arg3: memref<1x256xf32, #tpu.memory_space<vmem>>, %arg4: memref<384x256xf32, #tpu.memory_space<vmem>>) attributes {dimension_semantics = [#tpu.dimension_semantics<arbitrary>], iteration_bounds = array<i64: 3>, scalar_prefetch = 0 : i64, scratch_operands = 0 : i64, tpu.core_type = #tpu.core_type<tc>, window_params = [{pipeline_mode = #tpu.pipeline_mode<synchronous>, transform_indices = @transform_0, window_bounds = array<i64: 384, 13248>}, {transform_indices = @transform_1, window_bounds = array<i64: 256, 13248>}, {transform_indices = @transform_2, window_bounds = array<i64: 1, 256>}, {transform_indices = @transform_3, window_bounds = array<i64: 384, 256>}]} {
    %get3A = arith.constant 0 : index
    %get3A_0 = arith.constant 0 : index
    %get3A_1 = vector.load %arg1[%get3A, %get3A_0] : memref<384x13248xf32, #tpu.memory_space<vmem>>, vector<384x13248xf32>
    %get3A_2 = arith.constant 0 : index
    %get3A_3 = arith.constant 0 : index
    %get3A_4 = vector.load %arg2[%get3A_2, %get3A_3] : memref<256x13248xf32, #tpu.memory_space<vmem>>, vector<256x13248xf32>
    %dot_general3A = arith.constant dense<0.000000e+00> : vector<384x256xf32>
    %dot_general3A_5 = tpu.matmul %get3A_1, %get3A_4, %dot_general3A {dimension_numbers = #tpu.dot_dimension_numbers<[1], [1], [0], [0], [0, 0, 1, 0], [], []>, precision = #tpu.contract_precision<fp32>, transpose_lhs_hint = false} : vector<384x13248xf32>, vector<256x13248xf32>, vector<384x256xf32> -> vector<384x256xf32>
    %get3A_6 = arith.constant 0 : index
    %get3A_7 = arith.constant 0 : index
    %get3A_8 = vector.load %arg3[%get3A_6, %get3A_7] : memref<1x256xf32, #tpu.memory_space<vmem>>, vector<1x256xf32>
    %add3A = vector.broadcast %get3A_8 : vector<1x256xf32> to vector<384x256xf32>
    %add3A_9 = arith.addf %dot_general3A_5, %add3A : vector<384x256xf32>
    %swap3A = arith.constant 0 : index
    %swap3A_10 = arith.constant 0 : index
    %swap3A_11 = vector.load %arg4[%swap3A, %swap3A_10] : memref<384x256xf32, #tpu.memory_space<vmem>>, vector<384x256xf32>
    tpu.vector_store %arg4[%swap3A, %swap3A_10], %add3A_9 {strides = array<i32>} : memref<384x256xf32, #tpu.memory_space<vmem>>, vector<384x256xf32>,
    return
  }
  func.func @transform_0(%arg0: i32) -> (i32, i32) {
    %c0_i32 = arith.constant 0 : i32
    %c0_i32_0 = arith.constant 0 : i32
    %c0_i32_1 = arith.constant 0 : i32
    return %c0_i32, %c0_i32_0 : i32, i32
  }
  func.func @transform_1(%arg0: i32) -> (i32, i32) {
    %c0_i32 = arith.constant 0 : i32
    %c0_i32_0 = arith.constant 0 : i32
    return %arg0, %c0_i32 : i32, i32
  }
  func.func @transform_2(%arg0: i32) -> (i32, i32) {
    %c0_i32 = arith.constant 0 : i32
    %c0_i32_0 = arith.constant 0 : i32
    return %c0_i32, %arg0 : i32, i32
  }
  func.func @transform_3(%arg0: i32) -> (i32, i32) {
    %c0_i32 = arith.constant 0 : i32
    %c0_i32_0 = arith.constant 0 : i32
    return %c0_i32, %arg0 : i32, i32
  }
}

module attributes {stable_mosaic.version = 14 : i64} {
  func.func @_gru_body(%arg0: memref<12x32x768xf32, #tpu.memory_space<vmem>>, %arg1: memref<768x256xf32, #tpu.memory_space<vmem>>, %arg2: memref<1x768xf32, #tpu.memory_space<vmem>>, %arg3: memref<768x256xf32, #tpu.memory_space<vmem>>, %arg4: memref<1x768xf32, #tpu.memory_space<vmem>>, %arg5: memref<768x256xf32, #tpu.memory_space<vmem>>, %arg6: memref<1x768xf32, #tpu.memory_space<vmem>>, %arg7: memref<256x128xf32, #tpu.memory_space<vmem>>, %arg8: memref<1x128xf32, #tpu.memory_space<vmem>>, %arg9: memref<32x128xf32, #tpu.memory_space<vmem>>) attributes {dimension_semantics = [], scalar_prefetch = 0 : i64, scratch_operands = 0 : i64, tpu.core_type = #tpu.core_type<tc>} {
    %get3A = arith.constant 0 : index
    %get3A_0 = arith.constant 0 : index
    %get3A_1 = vector.load %arg1[%get3A, %get3A_0] : memref<768x256xf32, #tpu.memory_space<vmem>>, vector<768x256xf32>
    %get3A_2 = arith.constant 0 : index
    %get3A_3 = arith.constant 0 : index
    %get3A_4 = vector.load %arg3[%get3A_2, %get3A_3] : memref<768x256xf32, #tpu.memory_space<vmem>>, vector<768x256xf32>
    %get3A_5 = arith.constant 0 : index
    %get3A_6 = arith.constant 0 : index
    %get3A_7 = vector.load %arg5[%get3A_5, %get3A_6] : memref<768x256xf32, #tpu.memory_space<vmem>>, vector<768x256xf32>
    %get3A_8 = arith.constant 0 : index
    %get3A_9 = arith.constant 0 : index
    %get3A_10 = vector.load %arg2[%get3A_8, %get3A_9] : memref<1x768xf32, #tpu.memory_space<vmem>>, vector<1x768xf32>
    %get3A_11 = arith.constant 0 : index
    %get3A_12 = arith.constant 0 : index
    %get3A_13 = vector.load %arg4[%get3A_11, %get3A_12] : memref<1x768xf32, #tpu.memory_space<vmem>>, vector<1x768xf32>
    %get3A_14 = arith.constant 0 : index
    %get3A_15 = arith.constant 0 : index
    %get3A_16 = vector.load %arg6[%get3A_14, %get3A_15] : memref<1x768xf32, #tpu.memory_space<vmem>>, vector<1x768xf32>
    %broadcast_in_dim3A = arith.constant 0.000000e+00 : f32
    %broadcast_in_dim3A_17 = vector.broadcast %broadcast_in_dim3A : f32 to vector<32x256xf32>
    %broadcast_in_dim3A_18 = arith.constant 0.000000e+00 : f32
    %broadcast_in_dim3A_19 = vector.broadcast %broadcast_in_dim3A_18 : f32 to vector<32x256xf32>
    %scan3A = arith.constant 0 : i32
    %scan3A_20 = arith.constant 12 : i32
    %scan3A_21 = arith.addi %scan3A, %scan3A_20 : i32
    %scan3A_22 = arith.constant 1 : i32
    %scan3A_23:2 = scf.for %scan3A_35 = %scan3A to %scan3A_21 step %scan3A_22 iter_args(%scan3A_36 = %broadcast_in_dim3A_17, %scan3A_37 = %broadcast_in_dim3A_19) -> (vector<32x256xf32>, vector<32x256xf32>)  : i32 {
      %get3A_38 = arith.index_cast %scan3A_35 : i32 to index
      %get3A_39 = arith.constant 0 : index
      %get3A_40 = arith.constant 0 : index
      %get3A_41 = vector.load %arg0[%get3A_38, %get3A_39, %get3A_40] : memref<12x32x768xf32, #tpu.memory_space<vmem>>, vector<1x32x768xf32>
      %get3A_42 = vector.shape_cast %get3A_41 : vector<1x32x768xf32> to vector<32x768xf32>
      %dot_general3A_43 = arith.constant dense<0.000000e+00> : vector<32x768xf32>
      %dot_general3A_44 = tpu.matmul %scan3A_36, %get3A_1, %dot_general3A_43 {dimension_numbers = #tpu.dot_dimension_numbers<[1], [1], [0], [0], [0, 0, 1, 0], [], []>, precision = #tpu.contract_precision<fp32>, transpose_lhs_hint = false} : vector<32x256xf32>, vector<768x256xf32>, vector<32x768xf32> -> vector<32x768xf32>
      %add3A_45 = vector.broadcast %get3A_10 : vector<1x768xf32> to vector<32x768xf32>
      %add3A_46 = arith.addf %dot_general3A_44, %add3A_45 : vector<32x768xf32>
      %slice3A = vector.extract_strided_slice %get3A_42 {offsets = [0, 0], sizes = [32, 256], strides = [1, 1]} : vector<32x768xf32> to vector<32x256xf32>
      %slice3A_47 = vector.extract_strided_slice %add3A_46 {offsets = [0, 0], sizes = [32, 256], strides = [1, 1]} : vector<32x768xf32> to vector<32x256xf32>
      %add3A_48 = arith.addf %slice3A, %slice3A_47 : vector<32x256xf32>
      %jit3A = arith.constant -3.000000e+01 : f32
      %jit3A_49 = arith.constant 3.000000e+01 : f32
      %max3A = vector.broadcast %jit3A : f32 to vector<32x256xf32>
      %max3A_50 = arith.maximumf %max3A, %add3A_48 : vector<32x256xf32>
      %min3A = vector.broadcast %jit3A_49 : f32 to vector<32x256xf32>
      %min3A_51 = arith.minimumf %min3A, %max3A_50 : vector<32x256xf32>
      %neg3A = arith.constant 0.000000e+00 : f32
      %neg3A_52 = vector.broadcast %neg3A : f32 to vector<32x256xf32>
      %neg3A_53 = arith.subf %neg3A_52, %min3A_51 : vector<32x256xf32>
      %mul3A = arith.constant 1.44269502 : f32
      %mul3A_54 = vector.broadcast %mul3A : f32 to vector<32x256xf32>
      %mul3A_55 = arith.mulf %neg3A_53, %mul3A_54 : vector<32x256xf32>
      %add3A_56 = arith.constant 0x4B400000 : f32
      %add3A_57 = vector.broadcast %add3A_56 : f32 to vector<32x256xf32>
      %add3A_58 = arith.addf %mul3A_55, %add3A_57 : vector<32x256xf32>
      %sub3A = arith.constant 0x4B400000 : f32
      %sub3A_59 = vector.broadcast %sub3A : f32 to vector<32x256xf32>
      %sub3A_60 = arith.subf %add3A_58, %sub3A_59 : vector<32x256xf32>
      %sub3A_61 = arith.subf %mul3A_55, %sub3A_60 : vector<32x256xf32>
      %mul3A_62 = arith.constant 0.693147182 : f32
      %mul3A_63 = vector.broadcast %mul3A_62 : f32 to vector<32x256xf32>
      %mul3A_64 = arith.mulf %sub3A_61, %mul3A_63 : vector<32x256xf32>
      %mul3A_65 = arith.constant 1.98412701E-4 : f32
      %mul3A_66 = vector.broadcast %mul3A_65 : f32 to vector<32x256xf32>
      %mul3A_67 = arith.mulf %mul3A_64, %mul3A_66 : vector<32x256xf32>
      %add3A_68 = arith.constant 0.00138888892 : f32
      %add3A_69 = vector.broadcast %add3A_68 : f32 to vector<32x256xf32>
      %add3A_70 = arith.addf %add3A_69, %mul3A_67 : vector<32x256xf32>
      %mul3A_71 = arith.mulf %mul3A_64, %add3A_70 : vector<32x256xf32>
      %add3A_72 = arith.constant 0.00833333377 : f32
      %add3A_73 = vector.broadcast %add3A_72 : f32 to vector<32x256xf32>
      %add3A_74 = arith.addf %add3A_73, %mul3A_71 : vector<32x256xf32>
      %mul3A_75 = arith.mulf %mul3A_64, %add3A_74 : vector<32x256xf32>
      %add3A_76 = arith.constant 0.0416666679 : f32
      %add3A_77 = vector.broadcast %add3A_76 : f32 to vector<32x256xf32>
      %add3A_78 = arith.addf %add3A_77, %mul3A_75 : vector<32x256xf32>
      %mul3A_79 = arith.mulf %mul3A_64, %add3A_78 : vector<32x256xf32>
      %add3A_80 = arith.constant 0.166666672 : f32
      %add3A_81 = vector.broadcast %add3A_80 : f32 to vector<32x256xf32>
      %add3A_82 = arith.addf %add3A_81, %mul3A_79 : vector<32x256xf32>
      %mul3A_83 = arith.mulf %mul3A_64, %add3A_82 : vector<32x256xf32>
      %add3A_84 = arith.constant 5.000000e-01 : f32
      %add3A_85 = vector.broadcast %add3A_84 : f32 to vector<32x256xf32>
      %add3A_86 = arith.addf %add3A_85, %mul3A_83 : vector<32x256xf32>
      %mul3A_87 = arith.mulf %mul3A_64, %add3A_86 : vector<32x256xf32>
      %add3A_88 = arith.constant 1.000000e+00 : f32
      %add3A_89 = vector.broadcast %add3A_88 : f32 to vector<32x256xf32>
      %add3A_90 = arith.addf %add3A_89, %mul3A_87 : vector<32x256xf32>
      %mul3A_91 = arith.mulf %mul3A_64, %add3A_90 : vector<32x256xf32>
      %add3A_92 = arith.constant 1.000000e+00 : f32
      %add3A_93 = vector.broadcast %add3A_92 : f32 to vector<32x256xf32>
      %add3A_94 = arith.addf %add3A_93, %mul3A_91 : vector<32x256xf32>
      %convert_element_type3A = arith.fptosi %sub3A_60 : vector<32x256xf32> to vector<32x256xi32>
      %add3A_95 = arith.constant 127 : i32
      %add3A_96 = vector.broadcast %add3A_95 : i32 to vector<32x256xi32>
      %add3A_97 = arith.addi %convert_element_type3A, %add3A_96 : vector<32x256xi32>
      %shift_left3A = arith.constant 23 : i32
      %shift_left3A_98 = vector.broadcast %shift_left3A : i32 to vector<32x256xi32>
      %shift_left3A_99 = arith.shli %add3A_97, %shift_left3A_98 : vector<32x256xi32>
      %bitcast_convert_type3A = tpu.bitcast %shift_left3A_99 : vector<32x256xi32> -> vector<32x256xf32>
      %mul3A_100 = arith.mulf %add3A_94, %bitcast_convert_type3A : vector<32x256xf32>
      %add3A_101 = arith.constant 1.000000e+00 : f32
      %add3A_102 = vector.broadcast %add3A_101 : f32 to vector<32x256xf32>
      %add3A_103 = arith.addf %add3A_102, %mul3A_100 : vector<32x256xf32>
      %div3A = arith.constant 1.000000e+00 : f32
      %div3A_104 = vector.broadcast %div3A : f32 to vector<32x256xf32>
      %div3A_105 = arith.divf %div3A_104, %add3A_103 : vector<32x256xf32>
      %mul3A_106 = arith.mulf %add3A_103, %div3A_105 : vector<32x256xf32>
      %sub3A_107 = arith.constant 2.000000e+00 : f32
      %sub3A_108 = vector.broadcast %sub3A_107 : f32 to vector<32x256xf32>
      %sub3A_109 = arith.subf %sub3A_108, %mul3A_106 : vector<32x256xf32>
      %mul3A_110 = arith.mulf %div3A_105, %sub3A_109 : vector<32x256xf32>
      %mul3A_111 = arith.mulf %add3A_103, %mul3A_110 : vector<32x256xf32>
      %sub3A_112 = arith.constant 2.000000e+00 : f32
      %sub3A_113 = vector.broadcast %sub3A_112 : f32 to vector<32x256xf32>
      %sub3A_114 = arith.subf %sub3A_113, %mul3A_111 : vector<32x256xf32>
      %mul3A_115 = arith.mulf %mul3A_110, %sub3A_114 : vector<32x256xf32>
      %slice3A_116 = vector.extract_strided_slice %get3A_42 {offsets = [0, 256], sizes = [32, 256], strides = [1, 1]} : vector<32x768xf32> to vector<32x256xf32>
      %slice3A_117 = vector.extract_strided_slice %add3A_46 {offsets = [0, 256], sizes = [32, 256], strides = [1, 1]} : vector<32x768xf32> to vector<32x256xf32>
      %add3A_118 = arith.addf %slice3A_116, %slice3A_117 : vector<32x256xf32>
      %jit3A_119 = arith.constant -3.000000e+01 : f32
      %jit3A_120 = arith.constant 3.000000e+01 : f32
      %max3A_121 = vector.broadcast %jit3A_119 : f32 to vector<32x256xf32>
      %max3A_122 = arith.maximumf %max3A_121, %add3A_118 : vector<32x256xf32>
      %min3A_123 = vector.broadcast %jit3A_120 : f32 to vector<32x256xf32>
      %min3A_124 = arith.minimumf %min3A_123, %max3A_122 : vector<32x256xf32>
      %neg3A_125 = arith.constant 0.000000e+00 : f32
      %neg3A_126 = vector.broadcast %neg3A_125 : f32 to vector<32x256xf32>
      %neg3A_127 = arith.subf %neg3A_126, %min3A_124 : vector<32x256xf32>
      %mul3A_128 = arith.constant 1.44269502 : f32
      %mul3A_129 = vector.broadcast %mul3A_128 : f32 to vector<32x256xf32>
      %mul3A_130 = arith.mulf %neg3A_127, %mul3A_129 : vector<32x256xf32>
      %add3A_131 = arith.constant 0x4B400000 : f32
      %add3A_132 = vector.broadcast %add3A_131 : f32 to vector<32x256xf32>
      %add3A_133 = arith.addf %mul3A_130, %add3A_132 : vector<32x256xf32>
      %sub3A_134 = arith.constant 0x4B400000 : f32
      %sub3A_135 = vector.broadcast %sub3A_134 : f32 to vector<32x256xf32>
      %sub3A_136 = arith.subf %add3A_133, %sub3A_135 : vector<32x256xf32>
      %sub3A_137 = arith.subf %mul3A_130, %sub3A_136 : vector<32x256xf32>
      %mul3A_138 = arith.constant 0.693147182 : f32
      %mul3A_139 = vector.broadcast %mul3A_138 : f32 to vector<32x256xf32>
      %mul3A_140 = arith.mulf %sub3A_137, %mul3A_139 : vector<32x256xf32>
      %mul3A_141 = arith.constant 1.98412701E-4 : f32
      %mul3A_142 = vector.broadcast %mul3A_141 : f32 to vector<32x256xf32>
      %mul3A_143 = arith.mulf %mul3A_140, %mul3A_142 : vector<32x256xf32>
      %add3A_144 = arith.constant 0.00138888892 : f32
      %add3A_145 = vector.broadcast %add3A_144 : f32 to vector<32x256xf32>
      %add3A_146 = arith.addf %add3A_145, %mul3A_143 : vector<32x256xf32>
      %mul3A_147 = arith.mulf %mul3A_140, %add3A_146 : vector<32x256xf32>
      %add3A_148 = arith.constant 0.00833333377 : f32
      %add3A_149 = vector.broadcast %add3A_148 : f32 to vector<32x256xf32>
      %add3A_150 = arith.addf %add3A_149, %mul3A_147 : vector<32x256xf32>
      %mul3A_151 = arith.mulf %mul3A_140, %add3A_150 : vector<32x256xf32>
      %add3A_152 = arith.constant 0.0416666679 : f32
      %add3A_153 = vector.broadcast %add3A_152 : f32 to vector<32x256xf32>
      %add3A_154 = arith.addf %add3A_153, %mul3A_151 : vector<32x256xf32>
      %mul3A_155 = arith.mulf %mul3A_140, %add3A_154 : vector<32x256xf32>
      %add3A_156 = arith.constant 0.166666672 : f32
      %add3A_157 = vector.broadcast %add3A_156 : f32 to vector<32x256xf32>
      %add3A_158 = arith.addf %add3A_157, %mul3A_155 : vector<32x256xf32>
      %mul3A_159 = arith.mulf %mul3A_140, %add3A_158 : vector<32x256xf32>
      %add3A_160 = arith.constant 5.000000e-01 : f32
      %add3A_161 = vector.broadcast %add3A_160 : f32 to vector<32x256xf32>
      %add3A_162 = arith.addf %add3A_161, %mul3A_159 : vector<32x256xf32>
      %mul3A_163 = arith.mulf %mul3A_140, %add3A_162 : vector<32x256xf32>
      %add3A_164 = arith.constant 1.000000e+00 : f32
      %add3A_165 = vector.broadcast %add3A_164 : f32 to vector<32x256xf32>
      %add3A_166 = arith.addf %add3A_165, %mul3A_163 : vector<32x256xf32>
      %mul3A_167 = arith.mulf %mul3A_140, %add3A_166 : vector<32x256xf32>
      %add3A_168 = arith.constant 1.000000e+00 : f32
      %add3A_169 = vector.broadcast %add3A_168 : f32 to vector<32x256xf32>
      %add3A_170 = arith.addf %add3A_169, %mul3A_167 : vector<32x256xf32>
      %convert_element_type3A_171 = arith.fptosi %sub3A_136 : vector<32x256xf32> to vector<32x256xi32>
      %add3A_172 = arith.constant 127 : i32
      %add3A_173 = vector.broadcast %add3A_172 : i32 to vector<32x256xi32>
      %add3A_174 = arith.addi %convert_element_type3A_171, %add3A_173 : vector<32x256xi32>
      %shift_left3A_175 = arith.constant 23 : i32
      %shift_left3A_176 = vector.broadcast %shift_left3A_175 : i32 to vector<32x256xi32>
      %shift_left3A_177 = arith.shli %add3A_174, %shift_left3A_176 : vector<32x256xi32>
      %bitcast_convert_type3A_178 = tpu.bitcast %shift_left3A_177 : vector<32x256xi32> -> vector<32x256xf32>
      %mul3A_179 = arith.mulf %add3A_170, %bitcast_convert_type3A_178 : vector<32x256xf32>
      %add3A_180 = arith.constant 1.000000e+00 : f32
      %add3A_181 = vector.broadcast %add3A_180 : f32 to vector<32x256xf32>
      %add3A_182 = arith.addf %add3A_181, %mul3A_179 : vector<32x256xf32>
      %div3A_183 = arith.constant 1.000000e+00 : f32
      %div3A_184 = vector.broadcast %div3A_183 : f32 to vector<32x256xf32>
      %div3A_185 = arith.divf %div3A_184, %add3A_182 : vector<32x256xf32>
      %mul3A_186 = arith.mulf %add3A_182, %div3A_185 : vector<32x256xf32>
      %sub3A_187 = arith.constant 2.000000e+00 : f32
      %sub3A_188 = vector.broadcast %sub3A_187 : f32 to vector<32x256xf32>
      %sub3A_189 = arith.subf %sub3A_188, %mul3A_186 : vector<32x256xf32>
      %mul3A_190 = arith.mulf %div3A_185, %sub3A_189 : vector<32x256xf32>
      %mul3A_191 = arith.mulf %add3A_182, %mul3A_190 : vector<32x256xf32>
      %sub3A_192 = arith.constant 2.000000e+00 : f32
      %sub3A_193 = vector.broadcast %sub3A_192 : f32 to vector<32x256xf32>
      %sub3A_194 = arith.subf %sub3A_193, %mul3A_191 : vector<32x256xf32>
      %mul3A_195 = arith.mulf %mul3A_190, %sub3A_194 : vector<32x256xf32>
      %slice3A_196 = vector.extract_strided_slice %get3A_42 {offsets = [0, 512], sizes = [32, 256], strides = [1, 1]} : vector<32x768xf32> to vector<32x256xf32>
      %slice3A_197 = vector.extract_strided_slice %add3A_46 {offsets = [0, 512], sizes = [32, 256], strides = [1, 1]} : vector<32x768xf32> to vector<32x256xf32>
      %mul3A_198 = arith.mulf %mul3A_115, %slice3A_197 : vector<32x256xf32>
      %add3A_199 = arith.addf %slice3A_196, %mul3A_198 : vector<32x256xf32>
      %jit3A_200 = arith.constant -2.000000e+01 : f32
      %jit3A_201 = arith.constant 2.000000e+01 : f32
      %max3A_202 = vector.broadcast %jit3A_200 : f32 to vector<32x256xf32>
      %max3A_203 = arith.maximumf %max3A_202, %add3A_199 : vector<32x256xf32>
      %min3A_204 = vector.broadcast %jit3A_201 : f32 to vector<32x256xf32>
      %min3A_205 = arith.minimumf %min3A_204, %max3A_203 : vector<32x256xf32>
      %mul3A_206 = arith.constant -2.000000e+00 : f32
      %mul3A_207 = vector.broadcast %mul3A_206 : f32 to vector<32x256xf32>
      %mul3A_208 = arith.mulf %mul3A_207, %min3A_205 : vector<32x256xf32>
      %mul3A_209 = arith.constant 1.44269502 : f32
      %mul3A_210 = vector.broadcast %mul3A_209 : f32 to vector<32x256xf32>
      %mul3A_211 = arith.mulf %mul3A_208, %mul3A_210 : vector<32x256xf32>
      %add3A_212 = arith.constant 0x4B400000 : f32
      %add3A_213 = vector.broadcast %add3A_212 : f32 to vector<32x256xf32>
      %add3A_214 = arith.addf %mul3A_211, %add3A_213 : vector<32x256xf32>
      %sub3A_215 = arith.constant 0x4B400000 : f32
      %sub3A_216 = vector.broadcast %sub3A_215 : f32 to vector<32x256xf32>
      %sub3A_217 = arith.subf %add3A_214, %sub3A_216 : vector<32x256xf32>
      %sub3A_218 = arith.subf %mul3A_211, %sub3A_217 : vector<32x256xf32>
      %mul3A_219 = arith.constant 0.693147182 : f32
      %mul3A_220 = vector.broadcast %mul3A_219 : f32 to vector<32x256xf32>
      %mul3A_221 = arith.mulf %sub3A_218, %mul3A_220 : vector<32x256xf32>
      %mul3A_222 = arith.constant 1.98412701E-4 : f32
      %mul3A_223 = vector.broadcast %mul3A_222 : f32 to vector<32x256xf32>
      %mul3A_224 = arith.mulf %mul3A_221, %mul3A_223 : vector<32x256xf32>
      %add3A_225 = arith.constant 0.00138888892 : f32
      %add3A_226 = vector.broadcast %add3A_225 : f32 to vector<32x256xf32>
      %add3A_227 = arith.addf %add3A_226, %mul3A_224 : vector<32x256xf32>
      %mul3A_228 = arith.mulf %mul3A_221, %add3A_227 : vector<32x256xf32>
      %add3A_229 = arith.constant 0.00833333377 : f32
      %add3A_230 = vector.broadcast %add3A_229 : f32 to vector<32x256xf32>
      %add3A_231 = arith.addf %add3A_230, %mul3A_228 : vector<32x256xf32>
      %mul3A_232 = arith.mulf %mul3A_221, %add3A_231 : vector<32x256xf32>
      %add3A_233 = arith.constant 0.0416666679 : f32
      %add3A_234 = vector.broadcast %add3A_233 : f32 to vector<32x256xf32>
      %add3A_235 = arith.addf %add3A_234, %mul3A_232 : vector<32x256xf32>
      %mul3A_236 = arith.mulf %mul3A_221, %add3A_235 : vector<32x256xf32>
      %add3A_237 = arith.constant 0.166666672 : f32
      %add3A_238 = vector.broadcast %add3A_237 : f32 to vector<32x256xf32>
      %add3A_239 = arith.addf %add3A_238, %mul3A_236 : vector<32x256xf32>
      %mul3A_240 = arith.mulf %mul3A_221, %add3A_239 : vector<32x256xf32>
      %add3A_241 = arith.constant 5.000000e-01 : f32
      %add3A_242 = vector.broadcast %add3A_241 : f32 to vector<32x256xf32>
      %add3A_243 = arith.addf %add3A_242, %mul3A_240 : vector<32x256xf32>
      %mul3A_244 = arith.mulf %mul3A_221, %add3A_243 : vector<32x256xf32>
      %add3A_245 = arith.constant 1.000000e+00 : f32
      %add3A_246 = vector.broadcast %add3A_245 : f32 to vector<32x256xf32>
      %add3A_247 = arith.addf %add3A_246, %mul3A_244 : vector<32x256xf32>
      %mul3A_248 = arith.mulf %mul3A_221, %add3A_247 : vector<32x256xf32>
      %add3A_249 = arith.constant 1.000000e+00 : f32
      %add3A_250 = vector.broadcast %add3A_249 : f32 to vector<32x256xf32>
      %add3A_251 = arith.addf %add3A_250, %mul3A_248 : vector<32x256xf32>
      %convert_element_type3A_252 = arith.fptosi %sub3A_217 : vector<32x256xf32> to vector<32x256xi32>
      %add3A_253 = arith.constant 127 : i32
      %add3A_254 = vector.broadcast %add3A_253 : i32 to vector<32x256xi32>
      %add3A_255 = arith.addi %convert_element_type3A_252, %add3A_254 : vector<32x256xi32>
      %shift_left3A_256 = arith.constant 23 : i32
      %shift_left3A_257 = vector.broadcast %shift_left3A_256 : i32 to vector<32x256xi32>
      %shift_left3A_258 = arith.shli %add3A_255, %shift_left3A_257 : vector<32x256xi32>
      %bitcast_convert_type3A_259 = tpu.bitcast %shift_left3A_258 : vector<32x256xi32> -> vector<32x256xf32>
      %mul3A_260 = arith.mulf %add3A_251, %bitcast_convert_type3A_259 : vector<32x256xf32>
      %mul3A_261 = arith.constant 2.000000e+00 : f32
      %mul3A_262 = vector.broadcast %mul3A_261 : f32 to vector<32x256xf32>
      %mul3A_263 = arith.mulf %mul3A_262, %mul3A_260 : vector<32x256xf32>
      %add3A_264 = arith.constant 1.000000e+00 : f32
      %add3A_265 = vector.broadcast %add3A_264 : f32 to vector<32x256xf32>
      %add3A_266 = arith.addf %add3A_265, %mul3A_260 : vector<32x256xf32>
      %div3A_267 = arith.constant 1.000000e+00 : f32
      %div3A_268 = vector.broadcast %div3A_267 : f32 to vector<32x256xf32>
      %div3A_269 = arith.divf %div3A_268, %add3A_266 : vector<32x256xf32>
      %mul3A_270 = arith.mulf %add3A_266, %div3A_269 : vector<32x256xf32>
      %sub3A_271 = arith.constant 2.000000e+00 : f32
      %sub3A_272 = vector.broadcast %sub3A_271 : f32 to vector<32x256xf32>
      %sub3A_273 = arith.subf %sub3A_272, %mul3A_270 : vector<32x256xf32>
      %mul3A_274 = arith.mulf %div3A_269, %sub3A_273 : vector<32x256xf32>
      %mul3A_275 = arith.mulf %add3A_266, %mul3A_274 : vector<32x256xf32>
      %sub3A_276 = arith.constant 2.000000e+00 : f32
      %sub3A_277 = vector.broadcast %sub3A_276 : f32 to vector<32x256xf32>
      %sub3A_278 = arith.subf %sub3A_277, %mul3A_275 : vector<32x256xf32>
      %mul3A_279 = arith.mulf %mul3A_274, %sub3A_278 : vector<32x256xf32>
      %mul3A_280 = arith.mulf %mul3A_263, %mul3A_279 : vector<32x256xf32>
      %sub3A_281 = arith.constant 1.000000e+00 : f32
      %sub3A_282 = vector.broadcast %sub3A_281 : f32 to vector<32x256xf32>
      %sub3A_283 = arith.subf %sub3A_282, %mul3A_280 : vector<32x256xf32>
      %sub3A_284 = arith.constant 1.000000e+00 : f32
      %sub3A_285 = vector.broadcast %sub3A_284 : f32 to vector<32x256xf32>
      %sub3A_286 = arith.subf %sub3A_285, %mul3A_195 : vector<32x256xf32>
      %mul3A_287 = arith.mulf %sub3A_286, %sub3A_283 : vector<32x256xf32>
      %mul3A_288 = arith.mulf %mul3A_195, %scan3A_36 : vector<32x256xf32>
      %add3A_289 = arith.addf %mul3A_287, %mul3A_288 : vector<32x256xf32>
      %dot_general3A_290 = arith.constant dense<0.000000e+00> : vector<32x768xf32>
      %dot_general3A_291 = tpu.matmul %add3A_289, %get3A_4, %dot_general3A_290 {dimension_numbers = #tpu.dot_dimension_numbers<[1], [1], [0], [0], [0, 0, 1, 0], [], []>, precision = #tpu.contract_precision<fp32>, transpose_lhs_hint = false} : vector<32x256xf32>, vector<768x256xf32>, vector<32x768xf32> -> vector<32x768xf32>
      %add3A_292 = vector.broadcast %get3A_13 : vector<1x768xf32> to vector<32x768xf32>
      %add3A_293 = arith.addf %dot_general3A_291, %add3A_292 : vector<32x768xf32>
      %dot_general3A_294 = arith.constant dense<0.000000e+00> : vector<32x768xf32>
      %dot_general3A_295 = tpu.matmul %scan3A_37, %get3A_7, %dot_general3A_294 {dimension_numbers = #tpu.dot_dimension_numbers<[1], [1], [0], [0], [0, 0, 1, 0], [], []>, precision = #tpu.contract_precision<fp32>, transpose_lhs_hint = false} : vector<32x256xf32>, vector<768x256xf32>, vector<32x768xf32> -> vector<32x768xf32>
      %add3A_296 = vector.broadcast %get3A_16 : vector<1x768xf32> to vector<32x768xf32>
      %add3A_297 = arith.addf %dot_general3A_295, %add3A_296 : vector<32x768xf32>
      %slice3A_298 = vector.extract_strided_slice %add3A_293 {offsets = [0, 0], sizes = [32, 256], strides = [1, 1]} : vector<32x768xf32> to vector<32x256xf32>
      %slice3A_299 = vector.extract_strided_slice %add3A_297 {offsets = [0, 0], sizes = [32, 256], strides = [1, 1]} : vector<32x768xf32> to vector<32x256xf32>
      %add3A_300 = arith.addf %slice3A_298, %slice3A_299 : vector<32x256xf32>
      %jit3A_301 = arith.constant -3.000000e+01 : f32
      %jit3A_302 = arith.constant 3.000000e+01 : f32
      %max3A_303 = vector.broadcast %jit3A_301 : f32 to vector<32x256xf32>
      %max3A_304 = arith.maximumf %max3A_303, %add3A_300 : vector<32x256xf32>
      %min3A_305 = vector.broadcast %jit3A_302 : f32 to vector<32x256xf32>
      %min3A_306 = arith.minimumf %min3A_305, %max3A_304 : vector<32x256xf32>
      %neg3A_307 = arith.constant 0.000000e+00 : f32
      %neg3A_308 = vector.broadcast %neg3A_307 : f32 to vector<32x256xf32>
      %neg3A_309 = arith.subf %neg3A_308, %min3A_306 : vector<32x256xf32>
      %mul3A_310 = arith.constant 1.44269502 : f32
      %mul3A_311 = vector.broadcast %mul3A_310 : f32 to vector<32x256xf32>
      %mul3A_312 = arith.mulf %neg3A_309, %mul3A_311 : vector<32x256xf32>
      %add3A_313 = arith.constant 0x4B400000 : f32
      %add3A_314 = vector.broadcast %add3A_313 : f32 to vector<32x256xf32>
      %add3A_315 = arith.addf %mul3A_312, %add3A_314 : vector<32x256xf32>
      %sub3A_316 = arith.constant 0x4B400000 : f32
      %sub3A_317 = vector.broadcast %sub3A_316 : f32 to vector<32x256xf32>
      %sub3A_318 = arith.subf %add3A_315, %sub3A_317 : vector<32x256xf32>
      %sub3A_319 = arith.subf %mul3A_312, %sub3A_318 : vector<32x256xf32>
      %mul3A_320 = arith.constant 0.693147182 : f32
      %mul3A_321 = vector.broadcast %mul3A_320 : f32 to vector<32x256xf32>
      %mul3A_322 = arith.mulf %sub3A_319, %mul3A_321 : vector<32x256xf32>
      %mul3A_323 = arith.constant 1.98412701E-4 : f32
      %mul3A_324 = vector.broadcast %mul3A_323 : f32 to vector<32x256xf32>
      %mul3A_325 = arith.mulf %mul3A_322, %mul3A_324 : vector<32x256xf32>
      %add3A_326 = arith.constant 0.00138888892 : f32
      %add3A_327 = vector.broadcast %add3A_326 : f32 to vector<32x256xf32>
      %add3A_328 = arith.addf %add3A_327, %mul3A_325 : vector<32x256xf32>
      %mul3A_329 = arith.mulf %mul3A_322, %add3A_328 : vector<32x256xf32>
      %add3A_330 = arith.constant 0.00833333377 : f32
      %add3A_331 = vector.broadcast %add3A_330 : f32 to vector<32x256xf32>
      %add3A_332 = arith.addf %add3A_331, %mul3A_329 : vector<32x256xf32>
      %mul3A_333 = arith.mulf %mul3A_322, %add3A_332 : vector<32x256xf32>
      %add3A_334 = arith.constant 0.0416666679 : f32
      %add3A_335 = vector.broadcast %add3A_334 : f32 to vector<32x256xf32>
      %add3A_336 = arith.addf %add3A_335, %mul3A_333 : vector<32x256xf32>
      %mul3A_337 = arith.mulf %mul3A_322, %add3A_336 : vector<32x256xf32>
      %add3A_338 = arith.constant 0.166666672 : f32
      %add3A_339 = vector.broadcast %add3A_338 : f32 to vector<32x256xf32>
      %add3A_340 = arith.addf %add3A_339, %mul3A_337 : vector<32x256xf32>
      %mul3A_341 = arith.mulf %mul3A_322, %add3A_340 : vector<32x256xf32>
      %add3A_342 = arith.constant 5.000000e-01 : f32
      %add3A_343 = vector.broadcast %add3A_342 : f32 to vector<32x256xf32>
      %add3A_344 = arith.addf %add3A_343, %mul3A_341 : vector<32x256xf32>
      %mul3A_345 = arith.mulf %mul3A_322, %add3A_344 : vector<32x256xf32>
      %add3A_346 = arith.constant 1.000000e+00 : f32
      %add3A_347 = vector.broadcast %add3A_346 : f32 to vector<32x256xf32>
      %add3A_348 = arith.addf %add3A_347, %mul3A_345 : vector<32x256xf32>
      %mul3A_349 = arith.mulf %mul3A_322, %add3A_348 : vector<32x256xf32>
      %add3A_350 = arith.constant 1.000000e+00 : f32
      %add3A_351 = vector.broadcast %add3A_350 : f32 to vector<32x256xf32>
      %add3A_352 = arith.addf %add3A_351, %mul3A_349 : vector<32x256xf32>
      %convert_element_type3A_353 = arith.fptosi %sub3A_318 : vector<32x256xf32> to vector<32x256xi32>
      %add3A_354 = arith.constant 127 : i32
      %add3A_355 = vector.broadcast %add3A_354 : i32 to vector<32x256xi32>
      %add3A_356 = arith.addi %convert_element_type3A_353, %add3A_355 : vector<32x256xi32>
      %shift_left3A_357 = arith.constant 23 : i32
      %shift_left3A_358 = vector.broadcast %shift_left3A_357 : i32 to vector<32x256xi32>
      %shift_left3A_359 = arith.shli %add3A_356, %shift_left3A_358 : vector<32x256xi32>
      %bitcast_convert_type3A_360 = tpu.bitcast %shift_left3A_359 : vector<32x256xi32> -> vector<32x256xf32>
      %mul3A_361 = arith.mulf %add3A_352, %bitcast_convert_type3A_360 : vector<32x256xf32>
      %add3A_362 = arith.constant 1.000000e+00 : f32
      %add3A_363 = vector.broadcast %add3A_362 : f32 to vector<32x256xf32>
      %add3A_364 = arith.addf %add3A_363, %mul3A_361 : vector<32x256xf32>
      %div3A_365 = arith.constant 1.000000e+00 : f32
      %div3A_366 = vector.broadcast %div3A_365 : f32 to vector<32x256xf32>
      %div3A_367 = arith.divf %div3A_366, %add3A_364 : vector<32x256xf32>
      %mul3A_368 = arith.mulf %add3A_364, %div3A_367 : vector<32x256xf32>
      %sub3A_369 = arith.constant 2.000000e+00 : f32
      %sub3A_370 = vector.broadcast %sub3A_369 : f32 to vector<32x256xf32>
      %sub3A_371 = arith.subf %sub3A_370, %mul3A_368 : vector<32x256xf32>
      %mul3A_372 = arith.mulf %div3A_367, %sub3A_371 : vector<32x256xf32>
      %mul3A_373 = arith.mulf %add3A_364, %mul3A_372 : vector<32x256xf32>
      %sub3A_374 = arith.constant 2.000000e+00 : f32
      %sub3A_375 = vector.broadcast %sub3A_374 : f32 to vector<32x256xf32>
      %sub3A_376 = arith.subf %sub3A_375, %mul3A_373 : vector<32x256xf32>
      %mul3A_377 = arith.mulf %mul3A_372, %sub3A_376 : vector<32x256xf32>
      %slice3A_378 = vector.extract_strided_slice %add3A_293 {offsets = [0, 256], sizes = [32, 256], strides = [1, 1]} : vector<32x768xf32> to vector<32x256xf32>
      %slice3A_379 = vector.extract_strided_slice %add3A_297 {offsets = [0, 256], sizes = [32, 256], strides = [1, 1]} : vector<32x768xf32> to vector<32x256xf32>
      %add3A_380 = arith.addf %slice3A_378, %slice3A_379 : vector<32x256xf32>
      %jit3A_381 = arith.constant -3.000000e+01 : f32
      %jit3A_382 = arith.constant 3.000000e+01 : f32
      %max3A_383 = vector.broadcast %jit3A_381 : f32 to vector<32x256xf32>
      %max3A_384 = arith.maximumf %max3A_383, %add3A_380 : vector<32x256xf32>
      %min3A_385 = vector.broadcast %jit3A_382 : f32 to vector<32x256xf32>
      %min3A_386 = arith.minimumf %min3A_385, %max3A_384 : vector<32x256xf32>
      %neg3A_387 = arith.constant 0.000000e+00 : f32
      %neg3A_388 = vector.broadcast %neg3A_387 : f32 to vector<32x256xf32>
      %neg3A_389 = arith.subf %neg3A_388, %min3A_386 : vector<32x256xf32>
      %mul3A_390 = arith.constant 1.44269502 : f32
      %mul3A_391 = vector.broadcast %mul3A_390 : f32 to vector<32x256xf32>
      %mul3A_392 = arith.mulf %neg3A_389, %mul3A_391 : vector<32x256xf32>
      %add3A_393 = arith.constant 0x4B400000 : f32
      %add3A_394 = vector.broadcast %add3A_393 : f32 to vector<32x256xf32>
      %add3A_395 = arith.addf %mul3A_392, %add3A_394 : vector<32x256xf32>
      %sub3A_396 = arith.constant 0x4B400000 : f32
      %sub3A_397 = vector.broadcast %sub3A_396 : f32 to vector<32x256xf32>
      %sub3A_398 = arith.subf %add3A_395, %sub3A_397 : vector<32x256xf32>
      %sub3A_399 = arith.subf %mul3A_392, %sub3A_398 : vector<32x256xf32>
      %mul3A_400 = arith.constant 0.693147182 : f32
      %mul3A_401 = vector.broadcast %mul3A_400 : f32 to vector<32x256xf32>
      %mul3A_402 = arith.mulf %sub3A_399, %mul3A_401 : vector<32x256xf32>
      %mul3A_403 = arith.constant 1.98412701E-4 : f32
      %mul3A_404 = vector.broadcast %mul3A_403 : f32 to vector<32x256xf32>
      %mul3A_405 = arith.mulf %mul3A_402, %mul3A_404 : vector<32x256xf32>
      %add3A_406 = arith.constant 0.00138888892 : f32
      %add3A_407 = vector.broadcast %add3A_406 : f32 to vector<32x256xf32>
      %add3A_408 = arith.addf %add3A_407, %mul3A_405 : vector<32x256xf32>
      %mul3A_409 = arith.mulf %mul3A_402, %add3A_408 : vector<32x256xf32>
      %add3A_410 = arith.constant 0.00833333377 : f32
      %add3A_411 = vector.broadcast %add3A_410 : f32 to vector<32x256xf32>
      %add3A_412 = arith.addf %add3A_411, %mul3A_409 : vector<32x256xf32>
      %mul3A_413 = arith.mulf %mul3A_402, %add3A_412 : vector<32x256xf32>
      %add3A_414 = arith.constant 0.0416666679 : f32
      %add3A_415 = vector.broadcast %add3A_414 : f32 to vector<32x256xf32>
      %add3A_416 = arith.addf %add3A_415, %mul3A_413 : vector<32x256xf32>
      %mul3A_417 = arith.mulf %mul3A_402, %add3A_416 : vector<32x256xf32>
      %add3A_418 = arith.constant 0.166666672 : f32
      %add3A_419 = vector.broadcast %add3A_418 : f32 to vector<32x256xf32>
      %add3A_420 = arith.addf %add3A_419, %mul3A_417 : vector<32x256xf32>
      %mul3A_421 = arith.mulf %mul3A_402, %add3A_420 : vector<32x256xf32>
      %add3A_422 = arith.constant 5.000000e-01 : f32
      %add3A_423 = vector.broadcast %add3A_422 : f32 to vector<32x256xf32>
      %add3A_424 = arith.addf %add3A_423, %mul3A_421 : vector<32x256xf32>
      %mul3A_425 = arith.mulf %mul3A_402, %add3A_424 : vector<32x256xf32>
      %add3A_426 = arith.constant 1.000000e+00 : f32
      %add3A_427 = vector.broadcast %add3A_426 : f32 to vector<32x256xf32>
      %add3A_428 = arith.addf %add3A_427, %mul3A_425 : vector<32x256xf32>
      %mul3A_429 = arith.mulf %mul3A_402, %add3A_428 : vector<32x256xf32>
      %add3A_430 = arith.constant 1.000000e+00 : f32
      %add3A_431 = vector.broadcast %add3A_430 : f32 to vector<32x256xf32>
      %add3A_432 = arith.addf %add3A_431, %mul3A_429 : vector<32x256xf32>
      %convert_element_type3A_433 = arith.fptosi %sub3A_398 : vector<32x256xf32> to vector<32x256xi32>
      %add3A_434 = arith.constant 127 : i32
      %add3A_435 = vector.broadcast %add3A_434 : i32 to vector<32x256xi32>
      %add3A_436 = arith.addi %convert_element_type3A_433, %add3A_435 : vector<32x256xi32>
      %shift_left3A_437 = arith.constant 23 : i32
      %shift_left3A_438 = vector.broadcast %shift_left3A_437 : i32 to vector<32x256xi32>
      %shift_left3A_439 = arith.shli %add3A_436, %shift_left3A_438 : vector<32x256xi32>
      %bitcast_convert_type3A_440 = tpu.bitcast %shift_left3A_439 : vector<32x256xi32> -> vector<32x256xf32>
      %mul3A_441 = arith.mulf %add3A_432, %bitcast_convert_type3A_440 : vector<32x256xf32>
      %add3A_442 = arith.constant 1.000000e+00 : f32
      %add3A_443 = vector.broadcast %add3A_442 : f32 to vector<32x256xf32>
      %add3A_444 = arith.addf %add3A_443, %mul3A_441 : vector<32x256xf32>
      %div3A_445 = arith.constant 1.000000e+00 : f32
      %div3A_446 = vector.broadcast %div3A_445 : f32 to vector<32x256xf32>
      %div3A_447 = arith.divf %div3A_446, %add3A_444 : vector<32x256xf32>
      %mul3A_448 = arith.mulf %add3A_444, %div3A_447 : vector<32x256xf32>
      %sub3A_449 = arith.constant 2.000000e+00 : f32
      %sub3A_450 = vector.broadcast %sub3A_449 : f32 to vector<32x256xf32>
      %sub3A_451 = arith.subf %sub3A_450, %mul3A_448 : vector<32x256xf32>
      %mul3A_452 = arith.mulf %div3A_447, %sub3A_451 : vector<32x256xf32>
      %mul3A_453 = arith.mulf %add3A_444, %mul3A_452 : vector<32x256xf32>
      %sub3A_454 = arith.constant 2.000000e+00 : f32
      %sub3A_455 = vector.broadcast %sub3A_454 : f32 to vector<32x256xf32>
      %sub3A_456 = arith.subf %sub3A_455, %mul3A_453 : vector<32x256xf32>
      %mul3A_457 = arith.mulf %mul3A_452, %sub3A_456 : vector<32x256xf32>
      %slice3A_458 = vector.extract_strided_slice %add3A_293 {offsets = [0, 512], sizes = [32, 256], strides = [1, 1]} : vector<32x768xf32> to vector<32x256xf32>
      %slice3A_459 = vector.extract_strided_slice %add3A_297 {offsets = [0, 512], sizes = [32, 256], strides = [1, 1]} : vector<32x768xf32> to vector<32x256xf32>
      %mul3A_460 = arith.mulf %mul3A_377, %slice3A_459 : vector<32x256xf32>
      %add3A_461 = arith.addf %slice3A_458, %mul3A_460 : vector<32x256xf32>
      %jit3A_462 = arith.constant -2.000000e+01 : f32
      %jit3A_463 = arith.constant 2.000000e+01 : f32
      %max3A_464 = vector.broadcast %jit3A_462 : f32 to vector<32x256xf32>
      %max3A_465 = arith.maximumf %max3A_464, %add3A_461 : vector<32x256xf32>
      %min3A_466 = vector.broadcast %jit3A_463 : f32 to vector<32x256xf32>
      %min3A_467 = arith.minimumf %min3A_466, %max3A_465 : vector<32x256xf32>
      %mul3A_468 = arith.constant -2.000000e+00 : f32
      %mul3A_469 = vector.broadcast %mul3A_468 : f32 to vector<32x256xf32>
      %mul3A_470 = arith.mulf %mul3A_469, %min3A_467 : vector<32x256xf32>
      %mul3A_471 = arith.constant 1.44269502 : f32
      %mul3A_472 = vector.broadcast %mul3A_471 : f32 to vector<32x256xf32>
      %mul3A_473 = arith.mulf %mul3A_470, %mul3A_472 : vector<32x256xf32>
      %add3A_474 = arith.constant 0x4B400000 : f32
      %add3A_475 = vector.broadcast %add3A_474 : f32 to vector<32x256xf32>
      %add3A_476 = arith.addf %mul3A_473, %add3A_475 : vector<32x256xf32>
      %sub3A_477 = arith.constant 0x4B400000 : f32
      %sub3A_478 = vector.broadcast %sub3A_477 : f32 to vector<32x256xf32>
      %sub3A_479 = arith.subf %add3A_476, %sub3A_478 : vector<32x256xf32>
      %sub3A_480 = arith.subf %mul3A_473, %sub3A_479 : vector<32x256xf32>
      %mul3A_481 = arith.constant 0.693147182 : f32
      %mul3A_482 = vector.broadcast %mul3A_481 : f32 to vector<32x256xf32>
      %mul3A_483 = arith.mulf %sub3A_480, %mul3A_482 : vector<32x256xf32>
      %mul3A_484 = arith.constant 1.98412701E-4 : f32
      %mul3A_485 = vector.broadcast %mul3A_484 : f32 to vector<32x256xf32>
      %mul3A_486 = arith.mulf %mul3A_483, %mul3A_485 : vector<32x256xf32>
      %add3A_487 = arith.constant 0.00138888892 : f32
      %add3A_488 = vector.broadcast %add3A_487 : f32 to vector<32x256xf32>
      %add3A_489 = arith.addf %add3A_488, %mul3A_486 : vector<32x256xf32>
      %mul3A_490 = arith.mulf %mul3A_483, %add3A_489 : vector<32x256xf32>
      %add3A_491 = arith.constant 0.00833333377 : f32
      %add3A_492 = vector.broadcast %add3A_491 : f32 to vector<32x256xf32>
      %add3A_493 = arith.addf %add3A_492, %mul3A_490 : vector<32x256xf32>
      %mul3A_494 = arith.mulf %mul3A_483, %add3A_493 : vector<32x256xf32>
      %add3A_495 = arith.constant 0.0416666679 : f32
      %add3A_496 = vector.broadcast %add3A_495 : f32 to vector<32x256xf32>
      %add3A_497 = arith.addf %add3A_496, %mul3A_494 : vector<32x256xf32>
      %mul3A_498 = arith.mulf %mul3A_483, %add3A_497 : vector<32x256xf32>
      %add3A_499 = arith.constant 0.166666672 : f32
      %add3A_500 = vector.broadcast %add3A_499 : f32 to vector<32x256xf32>
      %add3A_501 = arith.addf %add3A_500, %mul3A_498 : vector<32x256xf32>
      %mul3A_502 = arith.mulf %mul3A_483, %add3A_501 : vector<32x256xf32>
      %add3A_503 = arith.constant 5.000000e-01 : f32
      %add3A_504 = vector.broadcast %add3A_503 : f32 to vector<32x256xf32>
      %add3A_505 = arith.addf %add3A_504, %mul3A_502 : vector<32x256xf32>
      %mul3A_506 = arith.mulf %mul3A_483, %add3A_505 : vector<32x256xf32>
      %add3A_507 = arith.constant 1.000000e+00 : f32
      %add3A_508 = vector.broadcast %add3A_507 : f32 to vector<32x256xf32>
      %add3A_509 = arith.addf %add3A_508, %mul3A_506 : vector<32x256xf32>
      %mul3A_510 = arith.mulf %mul3A_483, %add3A_509 : vector<32x256xf32>
      %add3A_511 = arith.constant 1.000000e+00 : f32
      %add3A_512 = vector.broadcast %add3A_511 : f32 to vector<32x256xf32>
      %add3A_513 = arith.addf %add3A_512, %mul3A_510 : vector<32x256xf32>
      %convert_element_type3A_514 = arith.fptosi %sub3A_479 : vector<32x256xf32> to vector<32x256xi32>
      %add3A_515 = arith.constant 127 : i32
      %add3A_516 = vector.broadcast %add3A_515 : i32 to vector<32x256xi32>
      %add3A_517 = arith.addi %convert_element_type3A_514, %add3A_516 : vector<32x256xi32>
      %shift_left3A_518 = arith.constant 23 : i32
      %shift_left3A_519 = vector.broadcast %shift_left3A_518 : i32 to vector<32x256xi32>
      %shift_left3A_520 = arith.shli %add3A_517, %shift_left3A_519 : vector<32x256xi32>
      %bitcast_convert_type3A_521 = tpu.bitcast %shift_left3A_520 : vector<32x256xi32> -> vector<32x256xf32>
      %mul3A_522 = arith.mulf %add3A_513, %bitcast_convert_type3A_521 : vector<32x256xf32>
      %mul3A_523 = arith.constant 2.000000e+00 : f32
      %mul3A_524 = vector.broadcast %mul3A_523 : f32 to vector<32x256xf32>
      %mul3A_525 = arith.mulf %mul3A_524, %mul3A_522 : vector<32x256xf32>
      %add3A_526 = arith.constant 1.000000e+00 : f32
      %add3A_527 = vector.broadcast %add3A_526 : f32 to vector<32x256xf32>
      %add3A_528 = arith.addf %add3A_527, %mul3A_522 : vector<32x256xf32>
      %div3A_529 = arith.constant 1.000000e+00 : f32
      %div3A_530 = vector.broadcast %div3A_529 : f32 to vector<32x256xf32>
      %div3A_531 = arith.divf %div3A_530, %add3A_528 : vector<32x256xf32>
      %mul3A_532 = arith.mulf %add3A_528, %div3A_531 : vector<32x256xf32>
      %sub3A_533 = arith.constant 2.000000e+00 : f32
      %sub3A_534 = vector.broadcast %sub3A_533 : f32 to vector<32x256xf32>
      %sub3A_535 = arith.subf %sub3A_534, %mul3A_532 : vector<32x256xf32>
      %mul3A_536 = arith.mulf %div3A_531, %sub3A_535 : vector<32x256xf32>
      %mul3A_537 = arith.mulf %add3A_528, %mul3A_536 : vector<32x256xf32>
      %sub3A_538 = arith.constant 2.000000e+00 : f32
      %sub3A_539 = vector.broadcast %sub3A_538 : f32 to vector<32x256xf32>
      %sub3A_540 = arith.subf %sub3A_539, %mul3A_537 : vector<32x256xf32>
      %mul3A_541 = arith.mulf %mul3A_536, %sub3A_540 : vector<32x256xf32>
      %mul3A_542 = arith.mulf %mul3A_525, %mul3A_541 : vector<32x256xf32>
      %sub3A_543 = arith.constant 1.000000e+00 : f32
      %sub3A_544 = vector.broadcast %sub3A_543 : f32 to vector<32x256xf32>
      %sub3A_545 = arith.subf %sub3A_544, %mul3A_542 : vector<32x256xf32>
      %sub3A_546 = arith.constant 1.000000e+00 : f32
      %sub3A_547 = vector.broadcast %sub3A_546 : f32 to vector<32x256xf32>
      %sub3A_548 = arith.subf %sub3A_547, %mul3A_457 : vector<32x256xf32>
      %mul3A_549 = arith.mulf %sub3A_548, %sub3A_545 : vector<32x256xf32>
      %mul3A_550 = arith.mulf %mul3A_457, %scan3A_37 : vector<32x256xf32>
      %add3A_551 = arith.addf %mul3A_549, %mul3A_550 : vector<32x256xf32>
      scf.yield %add3A_289, %add3A_551 : vector<32x256xf32>, vector<32x256xf32>
    }
    %scan3A_24 = arith.constant 12 : i32
    %get3A_25 = arith.constant 0 : index
    %get3A_26 = arith.constant 0 : index
    %get3A_27 = vector.load %arg7[%get3A_25, %get3A_26] : memref<256x128xf32, #tpu.memory_space<vmem>>, vector<256x128xf32>
    %dot_general3A = arith.constant dense<0.000000e+00> : vector<32x128xf32>
    %dot_general3A_28 = tpu.matmul %scan3A_23#1, %get3A_27, %dot_general3A {dimension_numbers = #tpu.dot_dimension_numbers<[1], [0], [0], [1], [0, 0, 1, 1], [], []>, transpose_lhs_hint = false} : vector<32x256xf32>, vector<256x128xf32>, vector<32x128xf32> -> vector<32x128xf32>
    %get3A_29 = arith.constant 0 : index
    %get3A_30 = arith.constant 0 : index
    %get3A_31 = vector.load %arg8[%get3A_29, %get3A_30] : memref<1x128xf32, #tpu.memory_space<vmem>>, vector<1x128xf32>
    %add3A = vector.broadcast %get3A_31 : vector<1x128xf32> to vector<32x128xf32>
    %add3A_32 = arith.addf %dot_general3A_28, %add3A : vector<32x128xf32>
    %swap3A = arith.constant 0 : index
    %swap3A_33 = arith.constant 0 : index
    %swap3A_34 = vector.load %arg9[%swap3A, %swap3A_33] : memref<32x128xf32, #tpu.memory_space<vmem>>, vector<32x128xf32>
    tpu.vector_store %arg9[%swap3A, %swap3A_33], %add3A_32 {strides = array<i32>} : memref<32x128xf32, #tpu.memory_space<vmem>>, vector<32x128xf32>,
    return
  }
}

</mosaic_0001>

<sc_bundles>
// kernel: kernel.6.cloned.1.call-start
scs
__scs_entry_jumppad:
0x0: {  	(pc) =	sbr.rel $0x88, $3  }
0x1: {  	(tag) =	ssettag $0x0;
	lr =	simm.s32 $0x1  }
0x2: {  	[smem:$0x3F91] =	sst lr;
	_ =	strace $0xD0000000  }
0x3: {  	_ = 	snop  }
0x4: {  	_ = 	snop  }
0x5: {  	_ = 	snop  }
0x6: {  	_ = 	snop  }
0x7: {  	_ = 	snop  }
__scs_overlays_trampoline_lowered:
0x8: {  	[smem:$0x3FA0] =	sst s0  }
0x9: {  	[smem:$0x3FA1] =	sst s1  }
0xa: {  	[smem:$0x3FA2] =	sst s2  }
0xb: {  	[smem:$0x3FA3] =	sst s3  }
0xc: {  	[smem:$0x3FA4] =	sst s4  }
0xd: {  	[smem:$0x3FA5] =	sst s5  }
0xe: {  	[smem:$0x3FA6] =	sst s6  }
0xf: {  	[smem:$0x3FA7] =	sst s7  }
0x10: {  	[smem:$0x3FA8] =	sst s8  }
0x11: {  	[smem:$0x3FA9] =	sst s9;
	s0 =	simm.s32 @!p0 $0x0  }
0x12: {  	s1 =	sld [smem:$0x3F8F];
	s0 =	simm.s32 @p0 $0x1  }
0x13: {  	[smem:$0x3FAA] =	sst s0;
	s0 =	simm.s32 @!p1 $0x0  }
0x14: {  	s2 =	sld [smem:$0x3F8E];
	s0 =	simm.s32 @p1 $0x1  }
0x15: {  	[smem:$0x3FAB] =	sst s0;
	s0 =	simm.s32 @!p2 $0x0  }
0x16: {  	s3 =	sld [smem:$0x3FDB];
	s0 =	simm.s32 @p2 $0x1  }
0x17: {  	s4 =	simm.s32 $0x1BF5;
	[smem:$0x3FAD] =	sst s0  }
0x18: {  	s0 =	sld [smem:$0x3F90];
	_ =	swait.ge [sflag:s4], $0x0  }
0x19: {  	s7 =	sld [smem:$0x3F91]  }
0x1a: {  	s8 =	sadd.s32 $0xFFFFE003, lr  }
0x1b: {  	s9 =	sadd.s32 $0xFFFFFEF7, lr;
	s5 =	simm.s32 $0xFFFFFFFF;
	p2 =	slt.u32 s8, $0xFFFFF086  }
0x1c: {  	p1 =	slt.u32 s9, $0xF7A;
	s5 =	simm.s32 @!p2 $0x0  }
0x1d: {  	s5 =	simm.s32 @p1 $0x1;
	p0 =	seq.s32 s7, s2  }
0x1e: {  	s7 =	smul.u32 @!p0 $0xF7A, s2;
	p2 =	seq.s32 @!p0 s5, $0x0  }
0x1f: {  	s9 =	smul.u32 $0xF7A, s1;
	s8 =	simm.s32 @!p0 $0x1BF5;
	p2 =	por !p2, p0  }
0x20: {  	[sflag:s8] =	ssyncset.s32 @!p0 $0xFFFFF086;
	s6 =	sadd.s32 @!p0 s3, s7;
	s7 =	simm.s32 @!p0 $0x108  }
0x21: {  	s3 =	sadd.s32 s3, s9;
	s6 =	sadd.s32 @!p0 $0x88, s6;
	s7 =	simm.s32 @p2 $0x1082  }
0x22: {  	[simem:s7], [sflag:s8] =	dma.local @!p0 [hbm:s6], $0xF7A  }
0x23: {  	s9 =	sor.u32 $0xD0000000, s2;
	s6 =	simm.s32 $0x108;
	_ =	swait.ge @!p0 [sflag:s8], $0x0  }
0x24: {  	s3 =	sadd.s32 $0x88, s3;
	s6 =	simm.s32 @!p1 $0x1082;
	[sflag:s4] =	ssyncset.s32 $0xFFFFF086  }
0x25: {  	[simem:s6], [sflag:s4] =	dma.local [hbm:s3], $0xF7A  }
0x26: {  	[smem:$0x3F91] =	sst s1;
	(tag) =	ssettag s2;
	_ =	strace s9  }
0x27: {  	s1 =	sld [smem:$0x3FA1]  }
0x28: {  	s2 =	sld [smem:$0x3FA2]  }
0x29: {  	s4 =	sld [smem:$0x3FA4]  }
0x2a: {  	p0 =	seq.s32 s5, $0x0;
	s5 =	sld [smem:$0x3FA5]  }
0x2b: {  	s6 =	sld [smem:$0x3FA6]  }
0x2c: {  	s7 =	sld [smem:$0x3FA7]  }
0x2d: {  	s3 =	simm.s32 $0x108;
	s8 =	sld [smem:$0x3FA8]  }
0x2e: {  	s3 =	simm.s32 @!p0 $0x1082;
	s9 =	sld [smem:$0x3FA9]  }
0x2f: {  	lr =	sadd.s32 s0, s3;
	s0 =	sld [smem:$0x3FA0]  }
0x30: {  	s3 =	sld [smem:$0x3FA3]  }
0x31: {  	[smem:$0x3FAC] =	sst s10  }
0x32: {  	s10 =	sld [smem:$0x3FAA];
	_ =	sdelay $0x3  }
0x33: {  	p0 =	seq.s32 s10, $0x1;
	s10 =	sld [smem:$0x3FAC];
	_ =	sdelay $0x3  }
0x34: {  	[smem:$0x3FAC] =	sst s10  }
0x35: {  	s10 =	sld [smem:$0x3FAB];
	_ =	sdelay $0x3  }
0x36: {  	p1 =	seq.s32 s10, $0x1;
	s10 =	sld [smem:$0x3FAC];
	_ =	sdelay $0x3  }
0x37: {  	[smem:$0x3FAC] =	sst s10  }
0x38: {  	s10 =	sld [smem:$0x3FAD]  }
0x39: {  	_ = 	snop;
	(pc) =	sbr.ind lr, $3  }
0x3a: {  	_ = 	snop  }
0x3b: {  	_ = 	snop  }
0x3c: {  	p2 =	seq.s32 s10, $0x1;
	s10 =	sld [smem:$0x3FAC]  }
0x3d: {  	_ =	shalt  }
0x3e: {  	_ =	shalt  }
0x3f: {  	_ =	shalt  }
0x40: {  	_ =	shalt  }
0x41: {  	_ =	shalt  }
0x42: {  	_ =	shalt  }
0x43: {  	_ =	shalt  }
0x44: {  	_ =	shalt  }
0x45: {  	_ =	shalt  }
0x46: {  	_ =	shalt  }
0x47: {  	_ =	shalt  }
0x48: {  	_ =	shalt  }
0x49: {  	_ =	shalt  }
0x4a: {  	_ =	shalt  }
0x4b: {  	_ =	shalt  }
0x4c: {  	_ =	shalt  }
0x4d: {  	_ =	shalt  }
0x4e: {  	_ =	shalt  }
0x4f: {  	_ =	shalt  }
0x50: {  	_ =	shalt  }
0x51: {  	_ =	shalt  }
0x52: {  	_ =	shalt  }
0x53: {  	_ =	shalt  }
0x54: {  	_ =	shalt  }
0x55: {  	_ =	shalt  }
0x56: {  	_ =	shalt  }
0x57: {  	_ =	shalt  }
0x58: {  	_ =	shalt  }
0x59: {  	_ =	shalt  }
0x5a: {  	_ =	shalt  }
0x5b: {  	_ =	shalt  }
0x5c: {  	_ =	shalt  }
0x5d: {  	_ =	shalt  }
0x5e: {  	_ =	shalt  }
0x5f: {  	_ =	shalt  }
0x60: {  	_ =	shalt  }
0x61: {  	_ =	shalt  }
0x62: {  	_ =	shalt  }
0x63: {  	_ =	shalt  }
0x64: {  	_ =	shalt  }
0x65: {  	_ =	shalt  }
0x66: {  	_ =	shalt  }
0x67: {  	_ =	shalt  }
0x68: {  	_ =	shalt  }
0x69: {  	_ =	shalt  }
0x6a: {  	_ =	shalt  }
0x6b: {  	_ =	shalt  }
0x6c: {  	_ =	shalt  }
0x6d: {  	_ =	shalt  }
0x6e: {  	_ =	shalt  }
0x6f: {  	_ =	shalt  }
0x70: {  	_ =	shalt  }
0x71: {  	_ =	shalt  }
0x72: {  	_ =	shalt  }
0x73: {  	_ =	shalt  }
0x74: {  	_ =	shalt  }
0x75: {  	_ =	shalt  }
0x76: {  	_ =	shalt  }
0x77: {  	_ =	shalt  }
0x78: {  	_ =	shalt  }
0x79: {  	_ =	shalt  }
0x7a: {  	_ =	shalt  }
0x7b: {  	_ =	shalt  }
0x7c: {  	_ =	shalt  }
0x7d: {  	_ =	shalt  }
0x7e: {  	_ =	shalt  }
0x7f: {  	_ =	shalt  }
0x80: {  	_ =	shalt  }
0x81: {  	_ =	shalt  }
0x82: {  	_ =	shalt  }
0x83: {  	_ =	shalt  }
0x84: {  	_ =	shalt  }
0x85: {  	_ =	shalt  }
0x86: {  	_ =	shalt  }
0x87: {  	_ =	shalt  }
.Lfunc_end0:
.L_simem_size_0:
called_computation_lowered:
.L_overlay_start_0:
0x88: {  	s2 =	sld [smem:$0x3FD9]  }
0x89: {  	s3 =	sld [smem:$0x3FFE];
	_ =	sdelay $0x1  }
0x8a: {  	s1 =	srdreg.scid  }
0x8b: {  	s0 =	sand.u32 $0x1, s1  }
0x8c: {  	s16 =	sshll.u32 s0, $0xA;
	s2 =	sadd.s32 s3, s2  }
0x8d: {  	s2 =	sadd.s32 s2, s16  }
0x8e: {  	[smem:$0x3FB8] =	sst s2  }
0x8f: {  	_ = 	snop  }
0x90: {  	(tm) =	ssettm $0x1  }
0x91: {  	s17 =	sld [smem:$0x3FFB];
	_ =	sdelay $0x3  }
0x92: {  	_ =	strace s17  }
0x93: {  	s2 =	sld [smem:$0x3FFC];
	_ =	sdelay $0x3  }
0x94: {  	_ =	strace s2  }
0x95: {  	s2 =	sld [smem:$0x3FFD];
	_ =	sdelay $0x3  }
0x96: {  	_ =	strace s2  }
0x97: {  	_ =	strace $0x8FFFFFFF  }
0x98: {  	s18 =	sld [smem:$0x3FDB];
	_ =	sdelay $0x1  }
0x99: {  	s19 =	simm.s32 $_scs_section_size  }
0x9a: {  	s4 =	simm.s32 $_size__tile_overlayer_lowered;
	s5 =	simm.s32 $_tile_overlayer_lowered  }
0x9b: {  	s22 =	simm.s32 $0x1BFF;
	s21 =	sshll.u32 s5, $0x1;
	s2 =	sadd.s32 s19, s18  }
0x9c: {  	s6 =	simm.s32 $0x0;
	s20 =	sshll.u32 s4, $0x1;
	s4 =	sadd.s32 s21, s2  }
0x9d: {  	[timem:s6], [sflag:s22] =	dma.local [hbm:s4], s20  }
0x9e: {  	_ =	swait.ge [sflag:s22], s20  }
0x9f: {  	s3 =	ssub.s32 $0x0, s20;
	[sflag:s22] =	ssyncset.done $0x0  }
0xa0: {  	[sflag:s22] =	ssyncadd.s32 s3;
	_ =	sdelay $0x1  }
0xa1: {  	s23 =	simm.s32 $0x1B8B  }
0xa2: {  	_ =	swait.ge [sflag:s23], $0x1  }
0xa3: {  	[sflag:s23] =	ssyncset.done $0x0  }
0xa4: {  	s25 =	simm.s32 $0x1B8E;
	s24 =	sld [smem:$0x3FFE];
	[sflag:s23] =	ssyncadd.s32 $0xFFFFFFFF  }
0xa5: {  	s26 =	simm.s32 $execute0_lowered;
	[smem:$0x3FD2] =	sst s25  }
0xa6: {  	s4 =	sshll.u32 s26, $0x1;
	_ =	strace $0x80000046;
	[dreg:$0x1] =	wrdreg $0xFFFFFFFF  }
0xa7: {  	s28 =	simm.s32 $_size_execute0_lowered;
	s2 =	sadd.s32 s2, s4;
	[dreg:$0x0] =	wrdreg $0x0  }
0xa8: {  	s4 =	sshll.u32 s28, $0x1;
	[dreg:$0x2] =	wrdreg s2  }
0xa9: {  	[dreg:$0x3] =	wrdreg s4  }
0xaa: {  	[dreg:$0x4] =	wrdreg $0xC0  }
0xab: {  	_ =	task [dreg:s6], $0x5FFFF  }
0xac: {  	[dreg:$0x1] =	wrdreg $0xFFFFFFFF  }
0xad: {  	[dreg:$0x0] =	wrdreg $0x60  }
0xae: {  	[dreg:$0x2] =	wrdreg s24  }
0xaf: {  	[dreg:$0x3] =	wrdreg $0x9  }
0xb0: {  	_ =	task.clear_ibuf [dreg:s6], $0x4FFFF;
	_ =	strace $0x90000046  }
0xb1: {  	s29 =	simm.s32 $0x9;
	_ =	strace $0x80000048  }
0xb2: {  	_ =	swait.ge [sflag:s29], $0x1  }
0xb3: {  	[sflag:s29] =	ssyncadd.s32 $0xFFFFFFFF  }
0xb4: {  	_ =	strace $0x90000048  }
0xb5: {  	_ =	sfence  }
0xb6: {  	s30 =	sld [smem:$0x0];
	_ =	sdelay $0x2  }
0xb7: {  	s31 =	sshll.u32 s1, $0xD;
	s1 =	sshrl.u32 s1, $0x2  }
0xb8: {  	s3 =	sand.u32 $0x4000, s31;
	s1 =	sadd.s32 s1, s30  }
0xb9: {  	s0 =	sor.u32 s3, s0;
	s1 =	sshll.u32 s1, $0x11  }
0xba: {  	s0 =	sor.u32 s1, s0  }
0xbb: {  	s0 =	sadd.s32 $0x8F2B, s0  }
0xbc: {  	[sflag:s0] =	ssyncadd.remote.s32 $0x1  }
0xbd: {  	_ =	sfence.sel $0xFFFF  }
0xbe: {  	[dreg:$0x0] =	wrdreg $0xFFFFFFFF;
	(pc) =	sbr.abs _section_cstart, $3  }
0xbf: {  	[dreg:$0x1] =	wrdreg $0xFFFFFFFF  }
0xc0: {  	_ =	task.clear_ibuf [dreg:s6], $0x2FFFF;
	_ =	strace $0x9FFFFFFF  }
0xc1: {  	(tm) =	ssettm $0x7FFFFFFF  }
tec
execute0_lowered:
.L_overlay_start_1:
0x0: {  	(tag) =	ssettag $0x1  }
0x1: {  	s0 =	srdreg.scid  }
0x2: {  	s1 =	stileid.u32;
	s4 =	sand.u32 $0x1, s0  }
0x3: {  	s3 =	sor.u32 s1, s4  }
0x4: {  	p0 =	sne.s32 s3, $0x0  }
.Ltmp0:
0x5: {  	_ = 	snop;
	(pc) =	sbr.rel @p0 .LBB2_9-.Ltmp0, $4  }
0x6: {  	_ = 	snop  }
0x7: {  	s7 =	rddreg [dreg:$0x0];
	s2 =	simm.s32 $0x0  }
0x8: {  	[smem:$0x7FF] =	sst s2  }
0x9: {  	s0 =	rddreg [dreg:$0x1];
	_ =	strace $0x80000047  }
0xa: {  	s3 =	sadd.s32 $0x1C00, s7;
	s8 =	ssub.s32 $0x2, s4  }
0xb: {  	s4 =	sadd.s32 $0x1E00, s7;
	s5 =	sadd.s32 $0x2000, s7;
	s6 =	sadd.s32 $0x2200, s7  }
0xc: {  	s7 =	sadd.s32 $0x4200, s7;
	s10 =	simm.s32 $0x1;
	s11 =	simm.s32 $0x10A00  }
0xd: {  	s12 =	simm.s32 $0x11200;
	s13 =	simm.s32 $0x80;
	s14 =	simm.s32 $0x400  }
0xe: {  	s15 =	simm.s32 $0x10000;
	s16 =	simm.s32 $0x10100;
	s9 =	sshrl.u32 s8, $0x1  }
0xf: {  	s17 =	simm.s32 $0x0;
	s8 =	ssub.s32 s8, s9;
	s9 =	simm.s32 $0x10200  }
.LBB2_2:
0x10: {  	s18 =	simm.s32 $0x0  }
0x11: {  	[tilespmem:s9], [sflag:$0x1] =	stream.linear.gather [hbm4b:s3+s18], $0x800, $0x38;
	[tilespmem:$0x11A00] =	vst v63  }
0x12: {  	_ =	swait.ge [sflag:s10], $0x800  }
0x13: {  	[sflag:s10] =	ssyncset.done $0x0  }
0x14: {  	[sflag:s10] =	ssyncadd.s32 $0xFFFFF800  }
0x15: {  	[tilespmem:s11], [sflag:$0x1] =	stream.linear.gather [hbm4b:s4+s18], $0x800, $0x38;
	[tilespmem:$0x11A00] =	vst v63  }
0x16: {  	_ =	swait.ge [sflag:s10], $0x800  }
0x17: {  	[sflag:s10] =	ssyncset.done $0x0  }
0x18: {  	[sflag:s10] =	ssyncadd.s32 $0xFFFFF800  }
0x19: {  	[tilespmem:s12], [sflag:$0x1] =	stream.linear.gather [hbm4b:s5+s18], $0x800, $0x38;
	[tilespmem:$0x11A00] =	vst v63  }
0x1a: {  	_ =	swait.ge [sflag:s10], $0x800  }
0x1b: {  	[sflag:s10] =	ssyncset.done $0x0  }
0x1c: {  	[sflag:s10] =	ssyncadd.s32 $0xFFFFF800  }
0x1d: {  	[tilespmem:s18], [sflag:$0x1] =	stream.linear.gather [hbm4b:s6+s18], $0x10000, $0x38;
	[tilespmem:$0x11A00] =	vst v63  }
0x1e: {  	_ =	swait.ge [sflag:s10], $0x10000  }
0x1f: {  	[sflag:s10] =	ssyncset.done $0x0  }
0x20: {  	[sflag:s10] =	ssyncadd.s32 $0xFFFF0000  }
0x21: {  	[tilespmem:s15], [sflag:$0x1] =	stream.strided.gather [hbm4b:s6+s13], $0x100, s14, s13, $0x38;
	[tilespmem:$0x11A00] =	vst v63  }
0x22: {  	_ =	swait.ge [sflag:s10], $0x100  }
0x23: {  	[sflag:s10] =	ssyncset.done $0x0  }
0x24: {  	s19 =	simm.s32 $0x0;
	s18 =	simm.s32 $0x40;
	[sflag:s10] =	ssyncadd.s32 $0xFFFFFF00  }
.LBB2_3:
0x25: {  	p0 =	sne.s32 s18, $0x1E00;
	v0 =	vld [tilespmem:s19+$0x10A00];
	_ =	sdelay $0x2  }
0x26: {  	v1 =	vld [tilespmem:s19+$0x11200]  }
.Ltmp1:
0x27: {  	(pc) =	sbr.rel @p0 .LBB2_3-.Ltmp1, $2  }
0x28: {  	_ =	sdelay $0x2  }
0x29: {  	s19 =	sshra.s32 s18, $0x2;
	s18 =	sadd.s32 $0x40, s18;
	[tilespmem:v0+s15+$0x0] =	vst.idx.add.f32.msk $0xffff, v1  }
0x2a: {  	v0 =	vld [tilespmem:s19+$0x10A00];
	_ =	sdelay $0x2  }
0x2b: {  	v1 =	vld [tilespmem:s19+$0x11200];
	_ =	sdelay $0x4  }
0x2c: {  	s19 =	simm.s32 $0x0;
	[tilespmem:v0+s15+$0x0] =	vst.idx.add.f32.msk $0xffff, v1  }
0x2d: {  	v11 =	vld [tilespmem:s19+$0x10000];
	_ =	sdelay $0x4  }
0x2e: {  	s18 =	simm.s32 $0x10;
	v1 =	vshra.s32 v11, $0x1;
	v10 =	vmul.f32 $5.000000000e-01, v11  }
0x2f: {  	v0 =	vld [tilespmem:s18+$0x10000];
	v2 =	vsub.s32 $0x5F3759DF, v1  }
0x30: {  	v1 =	vmul.f32 v2, v10;
	_ =	sdelay $0x1  }
0x31: {  	v1 =	vmul.f32 v2, v1;
	_ =	sdelay $0x1  }
0x32: {  	v3 =	vshra.s32 v0, $0x1;
	v4 =	vmul.f32 $5.000000000e-01, v0;
	v5 =	vsub.f32 $1.500000000e+00, v1  }
0x33: {  	s20 =	simm.s32 $0x20;
	v3 =	vsub.s32 $0x5F3759DF, v3  }
0x34: {  	v6 =	vmul.f32 v3, v4;
	v1 =	vld [tilespmem:s20+$0x10000];
	v7 =	vmul.f32 v2, v5;
	_ =	sdelay $0x1  }
0x35: {  	v2 =	vmul.f32 v3, v6;
	v6 =	vmul.f32 v7, v10;
	_ =	sdelay $0x1  }
0x36: {  	v2 =	vsub.f32 $1.500000000e+00, v2;
	v6 =	vmul.f32 v6, v7  }
0x37: {  	s21 =	simm.s32 $0x30;
	v8 =	vshra.s32 v1, $0x1;
	v5 =	vmul.f32 $5.000000000e-01, v1  }
0x38: {  	v8 =	vsub.s32 $0x5F3759DF, v8;
	v9 =	vmul.f32 v3, v2;
	v2 =	vld [tilespmem:s21+$0x10000];
	v3 =	vsub.f32 $1.500000000e+00, v6  }
0x39: {  	v6 =	vmul.f32 v8, v5  }
0x3a: {  	v12 =	vmul.f32 v9, v4;
	v13 =	vmul.f32 v3, v7  }
0x3b: {  	v3 =	vmul.f32 v8, v6  }
0x3c: {  	s22 =	simm.s32 $0x40;
	v6 =	vmul.f32 v12, v9;
	v12 =	vmul.f32 v13, v10  }
0x3d: {  	v15 =	vshra.s32 v2, $0x1;
	v7 =	vmul.f32 $5.000000000e-01, v2;
	v14 =	vsub.f32 $1.500000000e+00, v3;
	v3 =	vld [tilespmem:s22+$0x10000]  }
0x3e: {  	v6 =	vsub.f32 $1.500000000e+00, v6;
	v15 =	vsub.s32 $0x5F3759DF, v15;
	v12 =	vmul.f32 v12, v13  }
0x3f: {  	v16 =	vmul.f32 v8, v14;
	v8 =	vmul.f32 v15, v7  }
0x40: {  	v18 =	vmul.f32 v6, v9  }
0x41: {  	v6 =	vsub.f32 $1.500000000e+00, v12;
	v12 =	vmul.f32 v16, v5;
	v14 =	vmul.f32 v15, v8  }
0x42: {  	v17 =	vmul.f32 v18, v4;
	v8 =	vmul.f32 $5.000000000e-01, v3  }
0x43: {  	v9 =	vmul.f32 v6, v13;
	v19 =	vmul.f32 v12, v16  }
0x44: {  	s23 =	simm.s32 $0x50;
	v13 =	vshra.s32 v3, $0x1;
	v14 =	vsub.f32 $1.500000000e+00, v14;
	v17 =	vmul.f32 v17, v18  }
0x45: {  	v6 =	vld [tilespmem:s23+$0x10000];
	v12 =	vsub.s32 $0x5F3759DF, v13;
	v13 =	vsub.f32 $1.500000000e+00, v19;
	v19 =	vmul.f32 v9, v10  }
0x46: {  	v20 =	vmul.f32 v12, v8;
	v14 =	vmul.f32 v15, v14  }
0x47: {  	v10 =	vmul.f32 v13, v16;
	v13 =	vsub.f32 $1.500000000e+00, v17;
	v15 =	vmul.f32 v19, v9  }
0x48: {  	vm0 =	vgt.f32 v11, $5.000000000e-01;
	v17 =	vmul.f32 v12, v20;
	v20 =	vmul.f32 v14, v7  }
0x49: {  	v16 =	vmul.f32 v10, v5;
	v13 =	vmul.f32 v13, v18;
	v15 =	vsub.f32 $1.500000000e+00, v15  }
0x4a: {  	s24 =	simm.s32 $0x180;
	v19 =	vshra.s32 v6, $0x1;
	v11 =	vmul.f32 $5.000000000e-01, v6;
	v18 =	vmul.f32 v20, v14  }
.LBB2_5:
0x4b: {  	s25 =	sshra.s32 s24, $0x2;
	p0 =	sne.s32 s24, $0x3C0;
	s24 =	sadd.s32 $0x40, s24;
	v17 =	vsub.f32 $1.500000000e+00, v17;
	v16 =	vmul.f32 v16, v10;
	v15 =	vmul.f32 v15, v9;
	v20 =	vmovc v10;
	v9 =	vmovc v13  }
0x4c: {  	v10 =	vsub.s32 $0x5F3759DF, v19;
	v21 =	vld [tilespmem:s25+$0x10000];
	v13 =	vsub.f32 $1.500000000e+00, v18;
	v18 =	vmul.f32 v9, v4;
	v4 =	vmovc v5;
	v5 =	vmovc v7  }
.Ltmp2:
0x4d: {  	v19 =	vmul.f32 v10, v11;
	v7 =	vmovc v8;
	v22 =	vmul.f32 v12, v17;
	v15 =	vnsel vm0, $0x0, v15;
	v12 =	vmovc v10;
	(pc) =	sbr.rel @p0 .LBB2_5-.Ltmp2, $4  }
0x4e: {  	v8 =	vmovc v11;
	v10 =	vmul.f32 v13, v14;
	v13 =	vsub.f32 $1.500000000e+00, v16;
	v23 =	vmul.f32 v18, v9;
	[tilespmem:s19+$0x10100] =	vst v15;
	s19 =	smov.u32 s18;
	s18 =	smov.u32 s20;
	s20 =	smov.u32 s21  }
0x4f: {  	vm0 =	vgt.f32 v0, $5.000000000e-01;
	v0 =	vmovc v1;
	v1 =	vmovc v2;
	v17 =	vmul.f32 v12, v19;
	s21 =	smov.u32 s22;
	s22 =	smov.u32 s23;
	s23 =	smov.u32 s25;
	v18 =	vmul.f32 v22, v7  }
0x50: {  	v2 =	vmovc v3;
	v3 =	vmovc v6;
	v16 =	vmul.f32 v10, v5;
	v13 =	vmul.f32 v13, v20;
	v15 =	vsub.f32 $1.500000000e+00, v23  }
0x51: {  	v14 =	vmovc v22;
	v19 =	vshra.s32 v21, $0x1;
	v11 =	vmul.f32 $5.000000000e-01, v21;
	v18 =	vmul.f32 v18, v22;
	v6 =	vmovc v21  }
0x52: {  	v19 =	vsub.s32 $0x5F3759DF, v19  }
0x53: {  	v20 =	vmul.f32 v19, v11;
	_ =	sdelay $0x1  }
0x54: {  	v20 =	vmul.f32 v19, v20  }
0x55: {  	v17 =	vsub.f32 $1.500000000e+00, v17  }
0x56: {  	v20 =	vsub.f32 $1.500000000e+00, v20  }
0x57: {  	v12 =	vmul.f32 v12, v17  }
0x58: {  	v49 =	vmul.f32 v19, v20  }
0x59: {  	v50 =	vmul.f32 v12, v8  }
0x5a: {  	v20 =	vmul.f32 v49, v11  }
0x5b: {  	v19 =	vmul.f32 v50, v12  }
0x5c: {  	v18 =	vsub.f32 $1.500000000e+00, v18;
	v20 =	vmul.f32 v20, v49  }
0x5d: {  	v19 =	vsub.f32 $1.500000000e+00, v19  }
0x5e: {  	v14 =	vmul.f32 v18, v14;
	v51 =	vsub.f32 $1.500000000e+00, v20  }
0x5f: {  	v12 =	vmul.f32 v19, v12  }
0x60: {  	v52 =	vmul.f32 v14, v7;
	v17 =	vmul.f32 v51, v49  }
0x61: {  	v16 =	vmul.f32 v16, v10;
	v53 =	vmul.f32 v12, v8  }
0x62: {  	v19 =	vmul.f32 v52, v14;
	v54 =	vmul.f32 v17, v11  }
0x63: {  	v16 =	vsub.f32 $1.500000000e+00, v16;
	v18 =	vmul.f32 v53, v12  }
0x64: {  	v4 =	vmul.f32 v13, v4;
	v19 =	vsub.f32 $1.500000000e+00, v19;
	v20 =	vmul.f32 v54, v17  }
0x65: {  	v9 =	vmul.f32 v15, v9;
	v55 =	vmul.f32 v16, v10;
	v56 =	vsub.f32 $1.500000000e+00, v18  }
0x66: {  	v4 =	vmul.f32 v4, v13;
	v14 =	vmul.f32 v19, v14;
	v57 =	vsub.f32 $1.500000000e+00, v20  }
0x67: {  	v5 =	vmul.f32 v55, v5;
	v12 =	vmul.f32 v56, v12  }
0x68: {  	v58 =	vmul.f32 v14, v7;
	v59 =	vmul.f32 v57, v17  }
0x69: {  	vm11 =	vgt.f32 v0, $5.000000000e-01;
	v5 =	vmul.f32 v5, v55;
	v60 =	vmul.f32 v12, v8  }
0x6a: {  	v4 =	vsub.f32 $1.500000000e+00, v4;
	v7 =	vmul.f32 v58, v14;
	v61 =	vmul.f32 v59, v11  }
0x6b: {  	vm12 =	vgt.f32 v1, $5.000000000e-01;
	v5 =	vsub.f32 $1.500000000e+00, v5;
	v8 =	vmul.f32 v60, v12  }
0x6c: {  	v4 =	vmul.f32 v4, v13;
	v0 =	vsub.f32 $1.500000000e+00, v7;
	v62 =	vmul.f32 v61, v59  }
0x6d: {  	v9 =	vnsel vm0, $0x0, v9;
	v5 =	vmul.f32 v5, v55;
	v8 =	vsub.f32 $1.500000000e+00, v8  }
0x6e: {  	[tilespmem:s19+$0x10100] =	vst v9;
	v4 =	vnsel vm11, $0x0, v4;
	v0 =	vmul.f32 v0, v14;
	v1 =	vsub.f32 $1.500000000e+00, v62  }
0x6f: {  	vm13 =	vgt.f32 v2, $5.000000000e-01;
	[tilespmem:s18+$0x10100] =	vst v4;
	v63 =	vnsel vm12, $0x0, v5;
	v2 =	vmul.f32 v8, v12  }
0x70: {  	vm14 =	vgt.f32 v3, $5.000000000e-01;
	[tilespmem:s20+$0x10100] =	vst v63;
	v0 =	vnsel vm13, $0x0, v0;
	v1 =	vmul.f32 v1, v59  }
0x71: {  	vm15 =	vgt.f32 v6, $5.000000000e-01;
	[tilespmem:s21+$0x10100] =	vst v0;
	v0 =	vnsel vm14, $0x0, v2  }
0x72: {  	[tilespmem:s22+$0x10100] =	vst v0;
	v0 =	vnsel vm15, $0x0, v1  }
0x73: {  	s19 =	simm.s32 $0x0;
	[tilespmem:s23+$0x10100] =	vst v0  }
0x74: {  	s18 =	simm.s32 $0x40;
	v0 =	vld [tilespmem:s19+$0x10200]  }
.LBB2_7:
0x75: {  	p0 =	sne.s32 s18, $0x1E00;
	v1 =	vld [tilespmem:s19+$0x10A00];
	_ =	sdelay $0x6  }
0x76: {  	v2 =	vld.idx.msk [tilespmem:v0+s16+$0x0], $0xffff  }
0x77: {  	v3 =	vld.idx.msk [tilespmem:v1+s16+$0x0], $0xffff  }
0x78: {  	v5 =	vshll.u32 v0, $0x3;
	v4 =	vshll.u32 v1, $0x8  }
0x79: {  	v5 =	vand.u32 $0xFFFFFC00, v5;
	v4 =	vand.u32 $0xFFFFF800, v4;
	v1 =	vshll.u32 v1, $0x7  }
0x7a: {  	v4 =	vadd.s32 v5, v4;
	v1 =	vand.u32 $0x380, v1;
	v6 =	vld [tilespmem:s19+$0x11200]  }
0x7b: {  	v0 =	vand.u32 $0x7F, v0;
	v1 =	vor.u32 v1, v4  }
0x7c: {  	v0 =	vor.u32 v0, v1  }
0x7d: {  	v1 =	vmul.f32 v3, v2  }
.Ltmp3:
0x7e: {  	(pc) =	sbr.rel @p0 .LBB2_7-.Ltmp3, $3  }
0x7f: {  	v1 =	vmul.f32 v1, v6;
	_ =	sdelay $0x1  }
0x80: {  	s19 =	sshra.s32 s18, $0x2;
	[tilespmem:v0+s2+$0x0] =	vst.idx.add.f32.msk $0xffff, v1  }
0x81: {  	s18 =	sadd.s32 $0x40, s18;
	v0 =	vld [tilespmem:s19+$0x10200]  }
0x82: {  	_ = 	snop  }
0x83: {  	v1 =	vld [tilespmem:s19+$0x10A00];
	_ =	sdelay $0x6  }
0x84: {  	v2 =	vld.idx.msk [tilespmem:v0+s16+$0x0], $0xffff  }
0x85: {  	v5 =	vshll.u32 v0, $0x3;
	v4 =	vshll.u32 v1, $0x8;
	v3 =	vld.idx.msk [tilespmem:v1+s16+$0x0], $0xffff  }
0x86: {  	v5 =	vand.u32 $0xFFFFFC00, v5;
	v4 =	vand.u32 $0xFFFFF800, v4;
	v1 =	vshll.u32 v1, $0x7  }
0x87: {  	v6 =	vld [tilespmem:s19+$0x11200];
	v4 =	vadd.s32 v5, v4;
	v1 =	vand.u32 $0x380, v1  }
0x88: {  	v62 =	vand.u32 $0x7F, v0;
	v1 =	vor.u32 v1, v4  }
0x89: {  	v0 =	vor.u32 v62, v1  }
0x8a: {  	v63 =	vmul.f32 v3, v2;
	_ =	sdelay $0x1  }
0x8b: {  	s17 =	sadd.s32 $0x1, s17;
	v1 =	vmul.f32 v63, v6  }
0x8c: {  	p0 =	sne.s32 s17, s8  }
.Ltmp4:
0x8d: {  	[tilespmem:v0+s2+$0x0] =	vst.idx.add.f32.msk $0xffff, v1;
	(pc) =	sbr.rel @p0 .LBB2_2-.Ltmp4, $4  }
0x8e: {  	[hbm4b:s7+s2] =	stream.linear.scatter [tilespmem:s2], [sflag:$0x1], $0x10000, $0x38;
	[tilespmem:$0x11A00] =	vst v63  }
0x8f: {  	_ =	swait.ge [sflag:s10], $0x10000  }
0x90: {  	[sflag:s10] =	ssyncset.done $0x0  }
0x91: {  	[sflag:s10] =	ssyncadd.s32 $0xFFFF0000  }
.LBB2_9:
0x92: {  	_ =	sfence.sel $0x180000  }
0x93: {  	[bflag:$0x0] =	sbarrier.arrive $0xFFFF  }
0x94: {  	p0 =	sne.s32 s1, $0x0;
	_ =	strace $0x90000047  }
0x95: {  	s0 =	sadd.s32 @!p0 $0x100000, s0;
	[bflag:$0x2] =	sbarrier.arrive $0xFFFF  }
0x96: {  	[sflag:s0] =	ssyncadd.tile.s32 @!p0 $0x1;
	_ =	shalt  }
.Lfunc_end2:
_tile_overlayer_lowered:
.L_overlay_start_2:
0x97: {  	(tag) =	ssettag $0x2  }
0x98: {  	s0 =	rddreg [dreg:$0x0];
	s2 =	stileid.u32  }
0x99: {  	s1 =	rddreg [dreg:$0x1];
	p0 =	sne.s32 s2, $0x0  }
0x9a: {  	s3 =	rddreg [dreg:$0x2];
	[bflag:$0x3] =	sbarrier.arrive $0xFFFF;
	s2 =	simm.s32 @!p0 $0x1C01  }
0x9b: {  	[timem:s3], [sflag:s2] =	dma.local @!p0 [hbm:s0], s1  }
0x9c: {  	s0 =	simm.s32 @!p0 $0x1  }
0x9d: {  	_ =	swait.ge @!p0 [sflag:s0], s1  }
0x9e: {  	s1 =	ssub.s32 @!p0 $0x0, s1;
	[sflag:s0] =	ssyncset.done @!p0 $0x0  }
0x9f: {  	[sflag:s0] =	ssyncadd.s32 @!p0 s1  }
0xa0: {  	[bflag:$0x3] =	sbarrier.arrive $0xFFFF  }
0xa1: {  	_ =	shalt  }

</sc_bundles>
